<compile_context>
chip_gen: v7x
topology: tpu7x:2x2x1
jax: 0.10.2.dev20260603
libtpu: 0.0.44.dev20260713+nightly
codegen_flags: <defaults>
</compile_context>

<pallas_src>
import functools

import jax
import jax.numpy as jnp
from jax import lax
from jax.experimental import pallas as pl
from jax.experimental.pallas import tpu as pltpu
from jax.experimental.pallas import tpu_sc as plsc

_N_NODES = 10000
_N_EDGES = 320000
_D_IN = 128
_D_OUT2 = 16
_N_GRAPHS = 64

_NC = 2
_NS = 16
_NW = _NC * _NS
_BS, _CH, _NB = 50, 200, 4
_ROWS = 10112
_RPT = _ROWS // _NS


def _make_edge_agg(d, with_cnt, bs, ch, nbuf):
  mesh = plsc.VectorSubcoreMesh(
      core_axis_name="c", subcore_axis_name="s",
      num_cores=_NC, num_subcores=_NS)
  out_type = [jax.ShapeDtypeStruct((_NC, _ROWS, d), jnp.float32)]
  scratch = [
      pltpu.VMEM((ch, bs), jnp.int32),
      pltpu.VMEM((ch, bs), jnp.int32),
      pltpu.VMEM((nbuf, bs, d), jnp.float32),
      pltpu.VMEM_SHARED((_ROWS, d), jnp.float32),
  ]
  scratch += [pltpu.SemaphoreType.DMA] * (2 * nbuf)
  if with_cnt:
    out_type.append(jax.ShapeDtypeStruct((_NC, _ROWS), jnp.float32))
    scratch += [
        pltpu.VMEM((bs,), jnp.float32),
        pltpu.VMEM_SHARED((_ROWS,), jnp.float32),
    ]

  def body(feat, edges, zrows, zcnt, ones, *rest):
    if with_cnt:
      (agg_out, cnt_out, src_v, dst_v, rows_v, shared_agg,
       *sems, ones_v, shared_cnt) = rest
    else:
      (agg_out, src_v, dst_v, rows_v, shared_agg, *sems) = rest
    gsem = sems[:nbuf]
    ssem = sems[nbuf:]
    c = lax.axis_index("c")
    s = lax.axis_index("s")
    wid = c * _NS + s

    pltpu.sync_copy(edges.at[0].at[wid], src_v)
    pltpu.sync_copy(edges.at[1].at[wid], dst_v)
    pltpu.sync_copy(zrows, shared_agg.at[pl.ds(s * _RPT, _RPT)])
    if with_cnt:
      pltpu.sync_copy(zcnt, shared_cnt.at[pl.ds(s * _RPT, _RPT)])
      pltpu.sync_copy(ones, ones_v)
    plsc.subcore_barrier()

    for b in range(nbuf):
      pltpu.async_copy(feat.at[src_v.at[b]], rows_v.at[b], gsem[b])

    def step(jj, carry):
      for b in range(nbuf):
        j = jj * nbuf + b
        pltpu.make_async_copy(
            feat.at[src_v.at[j]], rows_v.at[b], gsem[b]).wait()
        h = pltpu.async_copy(
            rows_v.at[b], shared_agg.at[dst_v.at[j]], ssem[b], add=True)
        if with_cnt:
          h2 = pltpu.async_copy(
              ones_v, shared_cnt.at[dst_v.at[j]], ssem[b], add=True)
        h.wait()
        if with_cnt:
          h2.wait()

        @pl.when(jj < ch // nbuf - 1)
        def _():
          pltpu.async_copy(
              feat.at[src_v.at[j + nbuf]], rows_v.at[b], gsem[b])
      return carry

    lax.fori_loop(0, ch // nbuf, step, 0)
    plsc.subcore_barrier()

    pltpu.sync_copy(shared_agg.at[pl.ds(s * _RPT, _RPT)],
                    agg_out.at[c].at[pl.ds(s * _RPT, _RPT)])
    if with_cnt:
      pltpu.sync_copy(shared_cnt.at[pl.ds(s * _RPT, _RPT)],
                      cnt_out.at[c].at[pl.ds(s * _RPT, _RPT)])

  return pl.kernel(
      body, out_type=out_type, mesh=mesh, scratch_types=scratch,
      compiler_params=pltpu.CompilerParams(use_tc_tiling_on_sc=False))


def _tc1_body(x_ref, agg_ref, cnt_ref, w1l_ref, b1_ref, w1r_ref,
              w2l_ref, b2_ref, w2r_ref, y2_ref, r2_ref):
  cnt = jnp.maximum(cnt_ref[0, :_N_NODES] + cnt_ref[1, :_N_NODES], 1.0)
  mean = (agg_ref[0, :_N_NODES] + agg_ref[1, :_N_NODES]) / cnt[:, None]
  h = jnp.dot(mean, w1l_ref[...], preferred_element_type=jnp.float32)
  h = h + b1_ref[...]
  h = h + jnp.dot(x_ref[...], w1r_ref[...], preferred_element_type=jnp.float32)
  h = jnp.maximum(h, 0.0)
  y2_ref[...] = jnp.dot(h, w2l_ref[...], preferred_element_type=jnp.float32)
  r2_ref[...] = (jnp.dot(h, w2r_ref[...], preferred_element_type=jnp.float32)
                 + b2_ref[...])


def _tc2_body(agg2_ref, cnt_ref, r2_ref, batch_ref, out_ref):
  cnt = jnp.maximum(cnt_ref[0, :_N_NODES] + cnt_ref[1, :_N_NODES], 1.0)
  h2 = (agg2_ref[0, :_N_NODES] + agg2_ref[1, :_N_NODES]) / cnt[:, None] + r2_ref[...]
  onehot = (lax.broadcasted_iota(jnp.int32, (_N_GRAPHS, _N_NODES), 0)
            == batch_ref[...]).astype(jnp.float32)
  psum = jnp.dot(onehot, h2, preferred_element_type=jnp.float32)
  gcnt = jnp.sum(onehot, axis=1, keepdims=True)
  pooled = psum / jnp.maximum(gcnt, 1.0)
  m = jnp.max(pooled, axis=1, keepdims=True)
  lse = m + jnp.log(jnp.sum(jnp.exp(pooled - m), axis=1, keepdims=True))
  out_ref[...] = pooled - lse


def kernel(x, edge_index, batch, W1_l, b1_l, W1_r, W2_l, b2_l, W2_r):
  e_r = edge_index.reshape(2, _NW, _CH, _BS)
  batch_p = batch.reshape(1, _N_NODES)
  z128 = jnp.zeros((_RPT, _D_IN), jnp.float32)
  z16 = jnp.zeros((_RPT, _D_OUT2), jnp.float32)
  zc = jnp.zeros((_RPT,), jnp.float32)
  ones1 = jnp.ones((_BS,), jnp.float32)

  agg1, cnt = _make_edge_agg(_D_IN, True, _BS, _CH, _NB)(
      x, e_r, z128, zc, ones1)

  y2, r2 = pl.pallas_call(
      _tc1_body,
      out_shape=[jax.ShapeDtypeStruct((_N_NODES, _D_OUT2), jnp.float32),
                 jax.ShapeDtypeStruct((_N_NODES, _D_OUT2), jnp.float32)],
  )(x, agg1, cnt, W1_l, b1_l.reshape(1, -1), W1_r,
    W2_l, b2_l.reshape(1, -1), W2_r)

  (agg2,) = _make_edge_agg(_D_OUT2, False, _BS, _CH, _NB)(
      y2, e_r, z16, zc, ones1)

  out = pl.pallas_call(
      _tc2_body,
      out_shape=jax.ShapeDtypeStruct((_N_GRAPHS, _D_OUT2), jnp.float32),
  )(agg2, cnt, r2, batch_p)
  return out

# --- scband reference (transcript-rebuilt; emitter-appended) ---
"""Pipeline reference for scband-graph-sage-88244398063737 (READ-ONLY COPY).

The authoritative reference and input builder live on the scoring server;
editing this copy changes nothing except your own understanding.
"""

import jax, jax.numpy as jnp
import numpy as np

N_NODES = 10000
N_EDGES = 320000
D_IN = 128
D_HID = 128
D_OUT = 16
N_GRAPHS = 64


def _glorot(key, shape):
    fan_in, fan_out = shape[0], shape[1]
    limit = float(np.sqrt(6.0 / (fan_in + fan_out)))
    return jax.random.uniform(key, shape, dtype=jnp.float32, minval=-limit, maxval=limit)


def setup_inputs(seed: int = 0) -> dict:
    key = jax.random.key(seed)
    ks = jax.random.split(key, 9)
    x = jax.random.normal(ks[0], (N_NODES, D_IN), dtype=jnp.float32)
    edge_index = jax.random.randint(ks[1], (2, N_EDGES), 0, N_NODES, dtype=jnp.int32)
    batch = jnp.sort(jax.random.randint(ks[2], (N_NODES,), 0, N_GRAPHS, dtype=jnp.int32))
    # SAGEConv params: lin_l (applied to aggregated neighbors, with bias), lin_r (root, no bias)
    W1_l = _glorot(ks[3], (D_IN, D_HID))
    b1_l = jnp.zeros((D_HID,), dtype=jnp.float32)
    W1_r = _glorot(ks[4], (D_IN, D_HID))
    W2_l = _glorot(ks[5], (D_HID, D_OUT))
    b2_l = jnp.zeros((D_OUT,), dtype=jnp.float32)
    W2_r = _glorot(ks[6], (D_HID, D_OUT))
    return {"x": x, "edge_index": edge_index, "batch": batch,
            "W1_l": W1_l, "b1_l": b1_l, "W1_r": W1_r,
            "W2_l": W2_l, "b2_l": b2_l, "W2_r": W2_r}


def _sage_conv(x, src, dst, W_l, b_l, W_r, num_nodes):
    # mean aggregation of neighbor (source) features onto destination nodes
    msgs = jnp.take(x, src, axis=0)                      # gather [E, d]
    agg = jax.ops.segment_sum(msgs, dst, num_segments=num_nodes)  # scatter-add
    cnt = jax.ops.segment_sum(jnp.ones((src.shape[0],), dtype=x.dtype), dst,
                              num_segments=num_nodes)
    mean = agg / jnp.maximum(cnt, 1.0)[:, None]
    return mean @ W_l + b_l + x @ W_r


def _global_mean_pool(x, batch, num_graphs):
    s = jax.ops.segment_sum(x, batch, num_segments=num_graphs)
    c = jax.ops.segment_sum(jnp.ones((x.shape[0],), dtype=x.dtype), batch,
                            num_segments=num_graphs)
    return s / jnp.maximum(c, 1.0)[:, None]


def reference(x, edge_index, batch, W1_l, b1_l, W1_r, W2_l, b2_l, W2_r):
    src = edge_index[0]
    dst = edge_index[1]
    h = jax.nn.relu(_sage_conv(x, src, dst, W1_l, b1_l, W1_r, N_NODES))
    h = _sage_conv(h, src, dst, W2_l, b2_l, W2_r, N_NODES)
    pooled = _global_mean_pool(h, batch, N_GRAPHS)
    return jax.nn.log_softmax(pooled, axis=1)

if __name__ == "__main__":
    import jax
    _d = setup_inputs()
    print(jax.jit(kernel)(*tuple(_d.values())))

</pallas_src>

<mosaic_0001>
#map = affine_map<(d0, d1) -> (0, 0)>
#map1 = affine_map<(d0, d1) -> (0, 0, 0, 0)>
#map2 = affine_map<(d0, d1) -> (0)>
#map3 = affine_map<(d0, d1) -> (0, 0, 0)>
module attributes {stable_mosaic.version = 14 : i64} {
  func.func @body(%arg0: i32, %arg1: i32, %arg2: memref<10000x128xf32, #tpu.memory_space<hbm>>, %arg3: memref<2x32x200x50xi32, #tpu.memory_space<hbm>>, %arg4: memref<632x128xf32, #tpu.memory_space<hbm>>, %arg5: memref<632xf32, #tpu.memory_space<hbm>>, %arg6: memref<50xf32, #tpu.memory_space<hbm>>, %arg7: memref<2x10112x128xf32, #tpu.memory_space<hbm>>, %arg8: memref<2x10112xf32, #tpu.memory_space<hbm>>, %arg9: memref<200x50xi32, #tpu.memory_space<vmem>>, %arg10: memref<200x50xi32, #tpu.memory_space<vmem>>, %arg11: memref<4x50x128xf32, #tpu.memory_space<vmem>>, %arg12: memref<10112x128xf32, #tpu.memory_space<vmem_shared>>, %arg13: memref<!tpu.dma_semaphore, #tpu.memory_space<semaphore_mem>>, %arg14: memref<!tpu.dma_semaphore, #tpu.memory_space<semaphore_mem>>, %arg15: memref<!tpu.dma_semaphore, #tpu.memory_space<semaphore_mem>>, %arg16: memref<!tpu.dma_semaphore, #tpu.memory_space<semaphore_mem>>, %arg17: memref<!tpu.dma_semaphore, #tpu.memory_space<semaphore_mem>>, %arg18: memref<!tpu.dma_semaphore, #tpu.memory_space<semaphore_mem>>, %arg19: memref<!tpu.dma_semaphore, #tpu.memory_space<semaphore_mem>>, %arg20: memref<!tpu.dma_semaphore, #tpu.memory_space<semaphore_mem>>, %arg21: memref<50xf32, #tpu.memory_space<vmem>>, %arg22: memref<10112xf32, #tpu.memory_space<vmem_shared>>) attributes {dimension_semantics = [#tpu.dimension_semantics<core_parallel>, #tpu.dimension_semantics<subcore_parallel>], iteration_bounds = array<i64: 2, 16>, scalar_prefetch = 0 : i64, scratch_operands = 14 : i64, tpu.core_type = #tpu.core_type<sc_vector_subcore>, window_params = [{transform_indices = #map}, {transform_indices = #map1}, {transform_indices = #map}, {transform_indices = #map2}, {transform_indices = #map2}, {transform_indices = #map3}, {transform_indices = #map}]} {
    %mul3A = arith.constant 16 : i32
    %mul3A_0 = arith.muli %arg0, %mul3A : i32
    %add3A = arith.addi %mul3A_0, %arg1 : i32
    %run_scoped3A = arith.constant 0 : i32
    "tpu.region"() ({
      %run_scoped3A_67 = tpu.sem_alloc : memref<!tpu.dma_semaphore, #tpu.memory_space<semaphore_mem>>
      %dma_start3A_68 = arith.constant 0 : i32
      %dma_start3A_69 = arith.constant 0 : i32
      %dma_start3A_70 = arith.constant 0 : i32
      %dma_start3A_71 = tpu.memref_slice %arg3[%run_scoped3A, %dma_start3A_68, %dma_start3A_69, %dma_start3A_70] : memref<2x32x200x50xi32, #tpu.memory_space<hbm>> -> memref<1x32x200x50xi32, #tpu.memory_space<hbm>>
      %dma_start3A_72 = tpu.memref_squeeze %dma_start3A_71 : memref<1x32x200x50xi32, #tpu.memory_space<hbm>> -> memref<32x200x50xi32, #tpu.memory_space<hbm>>
      %dma_start3A_73 = arith.constant 0 : i32
      %dma_start3A_74 = arith.constant 0 : i32
      %dma_start3A_75 = tpu.memref_slice %dma_start3A_72[%add3A, %dma_start3A_73, %dma_start3A_74] : memref<32x200x50xi32, #tpu.memory_space<hbm>> -> memref<1x200x50xi32, #tpu.memory_space<hbm>>
      %dma_start3A_76 = tpu.memref_squeeze %dma_start3A_75 : memref<1x200x50xi32, #tpu.memory_space<hbm>> -> memref<200x50xi32, #tpu.memory_space<hbm>>
      %dma_start3A_77 = arith.constant 0 : i32
      %dma_start3A_78 = arith.constant 0 : i32
      %dma_start3A_79 = arith.constant 0 : i32
      %dma_start3A_80 = tpu.memref_slice %arg3[%run_scoped3A, %dma_start3A_77, %dma_start3A_78, %dma_start3A_79] : memref<2x32x200x50xi32, #tpu.memory_space<hbm>> -> memref<1x32x200x50xi32, #tpu.memory_space<hbm>>
      %dma_start3A_81 = tpu.memref_squeeze %dma_start3A_80 : memref<1x32x200x50xi32, #tpu.memory_space<hbm>> -> memref<32x200x50xi32, #tpu.memory_space<hbm>>
      %dma_start3A_82 = arith.constant 0 : i32
      %dma_start3A_83 = arith.constant 0 : i32
      %dma_start3A_84 = tpu.memref_slice %dma_start3A_81[%add3A, %dma_start3A_82, %dma_start3A_83] : memref<32x200x50xi32, #tpu.memory_space<hbm>> -> memref<1x200x50xi32, #tpu.memory_space<hbm>>
      %dma_start3A_85 = tpu.memref_squeeze %dma_start3A_84 : memref<1x200x50xi32, #tpu.memory_space<hbm>> -> memref<200x50xi32, #tpu.memory_space<hbm>>
      tpu.enqueue_dma source(%dma_start3A_85 : memref<200x50xi32, #tpu.memory_space<hbm>>) target(%arg9 : memref<200x50xi32, #tpu.memory_space<vmem>>) target_semaphore(%run_scoped3A_67 : memref<!tpu.dma_semaphore, #tpu.memory_space<semaphore_mem>>)
      %dma_wait3A = arith.constant 0 : i32
      %dma_wait3A_86 = arith.constant 0 : i32
      %dma_wait3A_87 = arith.constant 0 : i32
      %dma_wait3A_88 = tpu.memref_slice %arg3[%run_scoped3A, %dma_wait3A, %dma_wait3A_86, %dma_wait3A_87] : memref<2x32x200x50xi32, #tpu.memory_space<hbm>> -> memref<1x32x200x50xi32, #tpu.memory_space<hbm>>
      %dma_wait3A_89 = tpu.memref_squeeze %dma_wait3A_88 : memref<1x32x200x50xi32, #tpu.memory_space<hbm>> -> memref<32x200x50xi32, #tpu.memory_space<hbm>>
      %dma_wait3A_90 = arith.constant 0 : i32
      %dma_wait3A_91 = arith.constant 0 : i32
      %dma_wait3A_92 = tpu.memref_slice %dma_wait3A_89[%add3A, %dma_wait3A_90, %dma_wait3A_91] : memref<32x200x50xi32, #tpu.memory_space<hbm>> -> memref<1x200x50xi32, #tpu.memory_space<hbm>>
      %dma_wait3A_93 = tpu.memref_squeeze %dma_wait3A_92 : memref<1x200x50xi32, #tpu.memory_space<hbm>> -> memref<200x50xi32, #tpu.memory_space<hbm>>
      %dma_wait3A_94 = arith.constant 0 : i32
      %dma_wait3A_95 = arith.constant 0 : i32
      %dma_wait3A_96 = arith.constant 0 : i32
      %dma_wait3A_97 = tpu.memref_slice %arg3[%run_scoped3A, %dma_wait3A_94, %dma_wait3A_95, %dma_wait3A_96] : memref<2x32x200x50xi32, #tpu.memory_space<hbm>> -> memref<1x32x200x50xi32, #tpu.memory_space<hbm>>
      %dma_wait3A_98 = tpu.memref_squeeze %dma_wait3A_97 : memref<1x32x200x50xi32, #tpu.memory_space<hbm>> -> memref<32x200x50xi32, #tpu.memory_space<hbm>>
      %dma_wait3A_99 = arith.constant 0 : i32
      %dma_wait3A_100 = arith.constant 0 : i32
      %dma_wait3A_101 = tpu.memref_slice %dma_wait3A_98[%add3A, %dma_wait3A_99, %dma_wait3A_100] : memref<32x200x50xi32, #tpu.memory_space<hbm>> -> memref<1x200x50xi32, #tpu.memory_space<hbm>>
      %dma_wait3A_102 = tpu.memref_squeeze %dma_wait3A_101 : memref<1x200x50xi32, #tpu.memory_space<hbm>> -> memref<200x50xi32, #tpu.memory_space<hbm>>
      tpu.wait_dma2 semaphore(%run_scoped3A_67 : memref<!tpu.dma_semaphore, #tpu.memory_space<semaphore_mem>>) src(%dma_wait3A_102 : memref<200x50xi32, #tpu.memory_space<hbm>>) dst(%arg9 : memref<200x50xi32, #tpu.memory_space<vmem>>)
      tpu.yield
    }) : () -> ()
    %run_scoped3A_1 = arith.constant 1 : i32
    "tpu.region"() ({
      %run_scoped3A_67 = tpu.sem_alloc : memref<!tpu.dma_semaphore, #tpu.memory_space<semaphore_mem>>
      %dma_start3A_68 = arith.constant 0 : i32
      %dma_start3A_69 = arith.constant 0 : i32
      %dma_start3A_70 = arith.constant 0 : i32
      %dma_start3A_71 = tpu.memref_slice %arg3[%run_scoped3A_1, %dma_start3A_68, %dma_start3A_69, %dma_start3A_70] : memref<2x32x200x50xi32, #tpu.memory_space<hbm>> -> memref<1x32x200x50xi32, #tpu.memory_space<hbm>>
      %dma_start3A_72 = tpu.memref_squeeze %dma_start3A_71 : memref<1x32x200x50xi32, #tpu.memory_space<hbm>> -> memref<32x200x50xi32, #tpu.memory_space<hbm>>
      %dma_start3A_73 = arith.constant 0 : i32
      %dma_start3A_74 = arith.constant 0 : i32
      %dma_start3A_75 = tpu.memref_slice %dma_start3A_72[%add3A, %dma_start3A_73, %dma_start3A_74] : memref<32x200x50xi32, #tpu.memory_space<hbm>> -> memref<1x200x50xi32, #tpu.memory_space<hbm>>
      %dma_start3A_76 = tpu.memref_squeeze %dma_start3A_75 : memref<1x200x50xi32, #tpu.memory_space<hbm>> -> memref<200x50xi32, #tpu.memory_space<hbm>>
      %dma_start3A_77 = arith.constant 0 : i32
      %dma_start3A_78 = arith.constant 0 : i32
      %dma_start3A_79 = arith.constant 0 : i32
      %dma_start3A_80 = tpu.memref_slice %arg3[%run_scoped3A_1, %dma_start3A_77, %dma_start3A_78, %dma_start3A_79] : memref<2x32x200x50xi32, #tpu.memory_space<hbm>> -> memref<1x32x200x50xi32, #tpu.memory_space<hbm>>
      %dma_start3A_81 = tpu.memref_squeeze %dma_start3A_80 : memref<1x32x200x50xi32, #tpu.memory_space<hbm>> -> memref<32x200x50xi32, #tpu.memory_space<hbm>>
      %dma_start3A_82 = arith.constant 0 : i32
      %dma_start3A_83 = arith.constant 0 : i32
      %dma_start3A_84 = tpu.memref_slice %dma_start3A_81[%add3A, %dma_start3A_82, %dma_start3A_83] : memref<32x200x50xi32, #tpu.memory_space<hbm>> -> memref<1x200x50xi32, #tpu.memory_space<hbm>>
      %dma_start3A_85 = tpu.memref_squeeze %dma_start3A_84 : memref<1x200x50xi32, #tpu.memory_space<hbm>> -> memref<200x50xi32, #tpu.memory_space<hbm>>
      tpu.enqueue_dma source(%dma_start3A_85 : memref<200x50xi32, #tpu.memory_space<hbm>>) target(%arg10 : memref<200x50xi32, #tpu.memory_space<vmem>>) target_semaphore(%run_scoped3A_67 : memref<!tpu.dma_semaphore, #tpu.memory_space<semaphore_mem>>)
      %dma_wait3A = arith.constant 0 : i32
      %dma_wait3A_86 = arith.constant 0 : i32
      %dma_wait3A_87 = arith.constant 0 : i32
      %dma_wait3A_88 = tpu.memref_slice %arg3[%run_scoped3A_1, %dma_wait3A, %dma_wait3A_86, %dma_wait3A_87] : memref<2x32x200x50xi32, #tpu.memory_space<hbm>> -> memref<1x32x200x50xi32, #tpu.memory_space<hbm>>
      %dma_wait3A_89 = tpu.memref_squeeze %dma_wait3A_88 : memref<1x32x200x50xi32, #tpu.memory_space<hbm>> -> memref<32x200x50xi32, #tpu.memory_space<hbm>>
      %dma_wait3A_90 = arith.constant 0 : i32
      %dma_wait3A_91 = arith.constant 0 : i32
      %dma_wait3A_92 = tpu.memref_slice %dma_wait3A_89[%add3A, %dma_wait3A_90, %dma_wait3A_91] : memref<32x200x50xi32, #tpu.memory_space<hbm>> -> memref<1x200x50xi32, #tpu.memory_space<hbm>>
      %dma_wait3A_93 = tpu.memref_squeeze %dma_wait3A_92 : memref<1x200x50xi32, #tpu.memory_space<hbm>> -> memref<200x50xi32, #tpu.memory_space<hbm>>
      %dma_wait3A_94 = arith.constant 0 : i32
      %dma_wait3A_95 = arith.constant 0 : i32
      %dma_wait3A_96 = arith.constant 0 : i32
      %dma_wait3A_97 = tpu.memref_slice %arg3[%run_scoped3A_1, %dma_wait3A_94, %dma_wait3A_95, %dma_wait3A_96] : memref<2x32x200x50xi32, #tpu.memory_space<hbm>> -> memref<1x32x200x50xi32, #tpu.memory_space<hbm>>
      %dma_wait3A_98 = tpu.memref_squeeze %dma_wait3A_97 : memref<1x32x200x50xi32, #tpu.memory_space<hbm>> -> memref<32x200x50xi32, #tpu.memory_space<hbm>>
      %dma_wait3A_99 = arith.constant 0 : i32
      %dma_wait3A_100 = arith.constant 0 : i32
      %dma_wait3A_101 = tpu.memref_slice %dma_wait3A_98[%add3A, %dma_wait3A_99, %dma_wait3A_100] : memref<32x200x50xi32, #tpu.memory_space<hbm>> -> memref<1x200x50xi32, #tpu.memory_space<hbm>>
      %dma_wait3A_102 = tpu.memref_squeeze %dma_wait3A_101 : memref<1x200x50xi32, #tpu.memory_space<hbm>> -> memref<200x50xi32, #tpu.memory_space<hbm>>
      tpu.wait_dma2 semaphore(%run_scoped3A_67 : memref<!tpu.dma_semaphore, #tpu.memory_space<semaphore_mem>>) src(%dma_wait3A_102 : memref<200x50xi32, #tpu.memory_space<hbm>>) dst(%arg10 : memref<200x50xi32, #tpu.memory_space<vmem>>)
      tpu.yield
    }) : () -> ()
    %mul3A_2 = arith.constant 632 : i32
    %mul3A_3 = arith.muli %arg1, %mul3A_2 : i32
    "tpu.region"() ({
      %run_scoped3A_67 = tpu.sem_alloc : memref<!tpu.dma_semaphore, #tpu.memory_space<semaphore_mem>>
      %dma_start3A_68 = arith.constant 0 : i32
      %dma_start3A_69 = tpu.memref_slice %arg12[%mul3A_3, %dma_start3A_68] : memref<10112x128xf32, #tpu.memory_space<vmem_shared>> -> memref<632x128xf32, #tpu.memory_space<vmem_shared>>
      tpu.enqueue_dma source(%arg4 : memref<632x128xf32, #tpu.memory_space<hbm>>) target(%dma_start3A_69 : memref<632x128xf32, #tpu.memory_space<vmem_shared>>) target_semaphore(%run_scoped3A_67 : memref<!tpu.dma_semaphore, #tpu.memory_space<semaphore_mem>>)
      %dma_wait3A = arith.constant 0 : i32
      %dma_wait3A_70 = tpu.memref_slice %arg12[%mul3A_3, %dma_wait3A] : memref<10112x128xf32, #tpu.memory_space<vmem_shared>> -> memref<632x128xf32, #tpu.memory_space<vmem_shared>>
      tpu.wait_dma2 semaphore(%run_scoped3A_67 : memref<!tpu.dma_semaphore, #tpu.memory_space<semaphore_mem>>) src(%arg4 : memref<632x128xf32, #tpu.memory_space<hbm>>) dst(%dma_wait3A_70 : memref<632x128xf32, #tpu.memory_space<vmem_shared>>)
      tpu.yield
    }) : () -> ()
    %mul3A_4 = arith.constant 632 : i32
    %mul3A_5 = arith.muli %arg1, %mul3A_4 : i32
    "tpu.region"() ({
      %run_scoped3A_67 = tpu.sem_alloc : memref<!tpu.dma_semaphore, #tpu.memory_space<semaphore_mem>>
      %dma_start3A_68 = tpu.memref_slice %arg22[%mul3A_5] : memref<10112xf32, #tpu.memory_space<vmem_shared>> -> memref<632xf32, #tpu.memory_space<vmem_shared>>
      tpu.enqueue_dma source(%arg5 : memref<632xf32, #tpu.memory_space<hbm>>) target(%dma_start3A_68 : memref<632xf32, #tpu.memory_space<vmem_shared>>) target_semaphore(%run_scoped3A_67 : memref<!tpu.dma_semaphore, #tpu.memory_space<semaphore_mem>>)
      %dma_wait3A = tpu.memref_slice %arg22[%mul3A_5] : memref<10112xf32, #tpu.memory_space<vmem_shared>> -> memref<632xf32, #tpu.memory_space<vmem_shared>>
      tpu.wait_dma2 semaphore(%run_scoped3A_67 : memref<!tpu.dma_semaphore, #tpu.memory_space<semaphore_mem>>) src(%arg5 : memref<632xf32, #tpu.memory_space<hbm>>) dst(%dma_wait3A : memref<632xf32, #tpu.memory_space<vmem_shared>>)
      tpu.yield
    }) : () -> ()
    "tpu.region"() ({
      %run_scoped3A_67 = tpu.sem_alloc : memref<!tpu.dma_semaphore, #tpu.memory_space<semaphore_mem>>
      tpu.enqueue_dma source(%arg6 : memref<50xf32, #tpu.memory_space<hbm>>) target(%arg21 : memref<50xf32, #tpu.memory_space<vmem>>) target_semaphore(%run_scoped3A_67 : memref<!tpu.dma_semaphore, #tpu.memory_space<semaphore_mem>>)
      tpu.wait_dma2 semaphore(%run_scoped3A_67 : memref<!tpu.dma_semaphore, #tpu.memory_space<semaphore_mem>>) src(%arg6 : memref<50xf32, #tpu.memory_space<hbm>>) dst(%arg21 : memref<50xf32, #tpu.memory_space<vmem>>)
      tpu.yield
    }) : () -> ()
    %barrier3A = arith.constant 0 : index
    tpu.barrier barrier_id(%barrier3A)
    %dma_start3A = arith.constant 0 : i32
    %dma_start3A_6 = arith.constant 0 : i32
    %dma_start3A_7 = arith.constant 0 : i32
    %dma_start3A_8 = arith.constant 0 : i32
    %dma_start3A_9 = tpu.memref_slice %arg11[%dma_start3A_6, %dma_start3A_7, %dma_start3A_8] : memref<4x50x128xf32, #tpu.memory_space<vmem>> -> memref<1x50x128xf32, #tpu.memory_space<vmem>>
    %dma_start3A_10 = tpu.memref_squeeze %dma_start3A_9 : memref<1x50x128xf32, #tpu.memory_space<vmem>> -> memref<50x128xf32, #tpu.memory_space<vmem>>
    %dma_start3A_11 = arith.constant 0 : i32
    %dma_start3A_12 = tpu.memref_slice %arg9[%dma_start3A, %dma_start3A_11] : memref<200x50xi32, #tpu.memory_space<vmem>> -> memref<1x50xi32, #tpu.memory_space<vmem>>
    %dma_start3A_13 = tpu.memref_squeeze %dma_start3A_12 : memref<1x50xi32, #tpu.memory_space<vmem>> -> memref<50xi32, #tpu.memory_space<vmem>>
    %dma_start3A_14 = arith.constant 0 : i32
    %dma_start3A_15 = arith.constant 0 : i32
    %dma_start3A_16 = tpu.memref_slice %arg2[%dma_start3A_14, %dma_start3A_15] : memref<10000x128xf32, #tpu.memory_space<hbm>> -> memref<10000x128xf32, #tpu.memory_space<hbm>>
    tpu.enqueue_indirect_dma source(%dma_start3A_16 : memref<10000x128xf32, #tpu.memory_space<hbm>>) target(%dma_start3A_10 : memref<50x128xf32, #tpu.memory_space<vmem>>) offsets(%dma_start3A_13 : memref<50xi32, #tpu.memory_space<vmem>>) semaphore(%arg13 : memref<!tpu.dma_semaphore, #tpu.memory_space<semaphore_mem>>)
    %dma_start3A_17 = arith.constant 1 : i32
    %dma_start3A_18 = arith.constant 1 : i32
    %dma_start3A_19 = arith.constant 0 : i32
    %dma_start3A_20 = arith.constant 0 : i32
    %dma_start3A_21 = tpu.memref_slice %arg11[%dma_start3A_18, %dma_start3A_19, %dma_start3A_20] : memref<4x50x128xf32, #tpu.memory_space<vmem>> -> memref<1x50x128xf32, #tpu.memory_space<vmem>>
    %dma_start3A_22 = tpu.memref_squeeze %dma_start3A_21 : memref<1x50x128xf32, #tpu.memory_space<vmem>> -> memref<50x128xf32, #tpu.memory_space<vmem>>
    %dma_start3A_23 = arith.constant 0 : i32
    %dma_start3A_24 = tpu.memref_slice %arg9[%dma_start3A_17, %dma_start3A_23] : memref<200x50xi32, #tpu.memory_space<vmem>> -> memref<1x50xi32, #tpu.memory_space<vmem>>
    %dma_start3A_25 = tpu.memref_squeeze %dma_start3A_24 : memref<1x50xi32, #tpu.memory_space<vmem>> -> memref<50xi32, #tpu.memory_space<vmem>>
    %dma_start3A_26 = arith.constant 0 : i32
    %dma_start3A_27 = arith.constant 0 : i32
    %dma_start3A_28 = tpu.memref_slice %arg2[%dma_start3A_26, %dma_start3A_27] : memref<10000x128xf32, #tpu.memory_space<hbm>> -> memref<10000x128xf32, #tpu.memory_space<hbm>>
    tpu.enqueue_indirect_dma source(%dma_start3A_28 : memref<10000x128xf32, #tpu.memory_space<hbm>>) target(%dma_start3A_22 : memref<50x128xf32, #tpu.memory_space<vmem>>) offsets(%dma_start3A_25 : memref<50xi32, #tpu.memory_space<vmem>>) semaphore(%arg14 : memref<!tpu.dma_semaphore, #tpu.memory_space<semaphore_mem>>)
    %dma_start3A_29 = arith.constant 2 : i32
    %dma_start3A_30 = arith.constant 2 : i32
    %dma_start3A_31 = arith.constant 0 : i32
    %dma_start3A_32 = arith.constant 0 : i32
    %dma_start3A_33 = tpu.memref_slice %arg11[%dma_start3A_30, %dma_start3A_31, %dma_start3A_32] : memref<4x50x128xf32, #tpu.memory_space<vmem>> -> memref<1x50x128xf32, #tpu.memory_space<vmem>>
    %dma_start3A_34 = tpu.memref_squeeze %dma_start3A_33 : memref<1x50x128xf32, #tpu.memory_space<vmem>> -> memref<50x128xf32, #tpu.memory_space<vmem>>
    %dma_start3A_35 = arith.constant 0 : i32
    %dma_start3A_36 = tpu.memref_slice %arg9[%dma_start3A_29, %dma_start3A_35] : memref<200x50xi32, #tpu.memory_space<vmem>> -> memref<1x50xi32, #tpu.memory_space<vmem>>
    %dma_start3A_37 = tpu.memref_squeeze %dma_start3A_36 : memref<1x50xi32, #tpu.memory_space<vmem>> -> memref<50xi32, #tpu.memory_space<vmem>>
    %dma_start3A_38 = arith.constant 0 : i32
    %dma_start3A_39 = arith.constant 0 : i32
    %dma_start3A_40 = tpu.memref_slice %arg2[%dma_start3A_38, %dma_start3A_39] : memref<10000x128xf32, #tpu.memory_space<hbm>> -> memref<10000x128xf32, #tpu.memory_space<hbm>>
    tpu.enqueue_indirect_dma source(%dma_start3A_40 : memref<10000x128xf32, #tpu.memory_space<hbm>>) target(%dma_start3A_34 : memref<50x128xf32, #tpu.memory_space<vmem>>) offsets(%dma_start3A_37 : memref<50xi32, #tpu.memory_space<vmem>>) semaphore(%arg15 : memref<!tpu.dma_semaphore, #tpu.memory_space<semaphore_mem>>)
    %dma_start3A_41 = arith.constant 3 : i32
    %dma_start3A_42 = arith.constant 3 : i32
    %dma_start3A_43 = arith.constant 0 : i32
    %dma_start3A_44 = arith.constant 0 : i32
    %dma_start3A_45 = tpu.memref_slice %arg11[%dma_start3A_42, %dma_start3A_43, %dma_start3A_44] : memref<4x50x128xf32, #tpu.memory_space<vmem>> -> memref<1x50x128xf32, #tpu.memory_space<vmem>>
    %dma_start3A_46 = tpu.memref_squeeze %dma_start3A_45 : memref<1x50x128xf32, #tpu.memory_space<vmem>> -> memref<50x128xf32, #tpu.memory_space<vmem>>
    %dma_start3A_47 = arith.constant 0 : i32
    %dma_start3A_48 = tpu.memref_slice %arg9[%dma_start3A_41, %dma_start3A_47] : memref<200x50xi32, #tpu.memory_space<vmem>> -> memref<1x50xi32, #tpu.memory_space<vmem>>
    %dma_start3A_49 = tpu.memref_squeeze %dma_start3A_48 : memref<1x50xi32, #tpu.memory_space<vmem>> -> memref<50xi32, #tpu.memory_space<vmem>>
    %dma_start3A_50 = arith.constant 0 : i32
    %dma_start3A_51 = arith.constant 0 : i32
    %dma_start3A_52 = tpu.memref_slice %arg2[%dma_start3A_50, %dma_start3A_51] : memref<10000x128xf32, #tpu.memory_space<hbm>> -> memref<10000x128xf32, #tpu.memory_space<hbm>>
    tpu.enqueue_indirect_dma source(%dma_start3A_52 : memref<10000x128xf32, #tpu.memory_space<hbm>>) target(%dma_start3A_46 : memref<50x128xf32, #tpu.memory_space<vmem>>) offsets(%dma_start3A_49 : memref<50xi32, #tpu.memory_space<vmem>>) semaphore(%arg16 : memref<!tpu.dma_semaphore, #tpu.memory_space<semaphore_mem>>)
    %scan3A = arith.constant 0 : i32
    %scan3A_53 = arith.constant 0 : i32
    %scan3A_54 = arith.constant 50 : i32
    %scan3A_55 = arith.addi %scan3A_53, %scan3A_54 : i32
    %scan3A_56 = arith.constant 1 : i32
    scf.for %scan3A_67 = %scan3A_53 to %scan3A_55 step %scan3A_56  : i32 {
      %mul3A_68 = arith.constant 4 : i32
      %mul3A_69 = arith.muli %scan3A_67, %mul3A_68 : i32
      %add3A_70 = arith.constant 0 : i32
      %add3A_71 = arith.addi %mul3A_69, %add3A_70 : i32
      %dma_wait3A = arith.constant 0 : i32
      %dma_wait3A_72 = arith.constant 0 : i32
      %dma_wait3A_73 = arith.constant 0 : i32
      %dma_wait3A_74 = tpu.memref_slice %arg11[%dma_wait3A, %dma_wait3A_72, %dma_wait3A_73] : memref<4x50x128xf32, #tpu.memory_space<vmem>> -> memref<1x50x128xf32, #tpu.memory_space<vmem>>
      %dma_wait3A_75 = tpu.memref_squeeze %dma_wait3A_74 : memref<1x50x128xf32, #tpu.memory_space<vmem>> -> memref<50x128xf32, #tpu.memory_space<vmem>>
      %dma_wait3A_76 = arith.constant 0 : i32
      %dma_wait3A_77 = tpu.memref_slice %arg9[%add3A_71, %dma_wait3A_76] : memref<200x50xi32, #tpu.memory_space<vmem>> -> memref<1x50xi32, #tpu.memory_space<vmem>>
      %dma_wait3A_78 = tpu.memref_squeeze %dma_wait3A_77 : memref<1x50xi32, #tpu.memory_space<vmem>> -> memref<50xi32, #tpu.memory_space<vmem>>
      %dma_wait3A_79 = arith.constant 0 : i32
      %dma_wait3A_80 = arith.constant 0 : i32
      %dma_wait3A_81 = tpu.memref_slice %arg2[%dma_wait3A_79, %dma_wait3A_80] : memref<10000x128xf32, #tpu.memory_space<hbm>> -> memref<10000x128xf32, #tpu.memory_space<hbm>>
      tpu.wait_indirect_dma semaphore(%arg13 : memref<!tpu.dma_semaphore, #tpu.memory_space<semaphore_mem>>) src(%dma_wait3A_81 : memref<10000x128xf32, #tpu.memory_space<hbm>>) dst(%dma_wait3A_75 : memref<50x128xf32, #tpu.memory_space<vmem>>)
      %dma_start3A_82 = arith.constant 0 : i32
      %dma_start3A_83 = arith.constant 0 : i32
      %dma_start3A_84 = arith.constant 0 : i32
      %dma_start3A_85 = tpu.memref_slice %arg11[%dma_start3A_82, %dma_start3A_83, %dma_start3A_84] : memref<4x50x128xf32, #tpu.memory_space<vmem>> -> memref<1x50x128xf32, #tpu.memory_space<vmem>>
      %dma_start3A_86 = tpu.memref_squeeze %dma_start3A_85 : memref<1x50x128xf32, #tpu.memory_space<vmem>> -> memref<50x128xf32, #tpu.memory_space<vmem>>
      %dma_start3A_87 = arith.constant 0 : i32
      %dma_start3A_88 = tpu.memref_slice %arg10[%add3A_71, %dma_start3A_87] : memref<200x50xi32, #tpu.memory_space<vmem>> -> memref<1x50xi32, #tpu.memory_space<vmem>>
      %dma_start3A_89 = tpu.memref_squeeze %dma_start3A_88 : memref<1x50xi32, #tpu.memory_space<vmem>> -> memref<50xi32, #tpu.memory_space<vmem>>
      %dma_start3A_90 = arith.constant 0 : i32
      %dma_start3A_91 = arith.constant 0 : i32
      %dma_start3A_92 = tpu.memref_slice %arg12[%dma_start3A_90, %dma_start3A_91] : memref<10112x128xf32, #tpu.memory_space<vmem_shared>> -> memref<10112x128xf32, #tpu.memory_space<vmem_shared>>
      tpu.enqueue_indirect_dma source(%dma_start3A_86 : memref<50x128xf32, #tpu.memory_space<vmem>>) target(%dma_start3A_92 : memref<10112x128xf32, #tpu.memory_space<vmem_shared>>) offsets(%dma_start3A_89 : memref<50xi32, #tpu.memory_space<vmem>>) semaphore(%arg17 : memref<!tpu.dma_semaphore, #tpu.memory_space<semaphore_mem>>) {add = true}
      %dma_start3A_93 = arith.constant 0 : i32
      %dma_start3A_94 = tpu.memref_slice %arg10[%add3A_71, %dma_start3A_93] : memref<200x50xi32, #tpu.memory_space<vmem>> -> memref<1x50xi32, #tpu.memory_space<vmem>>
      %dma_start3A_95 = tpu.memref_squeeze %dma_start3A_94 : memref<1x50xi32, #tpu.memory_space<vmem>> -> memref<50xi32, #tpu.memory_space<vmem>>
      %dma_start3A_96 = arith.constant 0 : i32
      %dma_start3A_97 = tpu.memref_slice %arg22[%dma_start3A_96] : memref<10112xf32, #tpu.memory_space<vmem_shared>> -> memref<10112xf32, #tpu.memory_space<vmem_shared>>
      tpu.enqueue_indirect_dma source(%arg21 : memref<50xf32, #tpu.memory_space<vmem>>) target(%dma_start3A_97 : memref<10112xf32, #tpu.memory_space<vmem_shared>>) offsets(%dma_start3A_95 : memref<50xi32, #tpu.memory_space<vmem>>) semaphore(%arg17 : memref<!tpu.dma_semaphore, #tpu.memory_space<semaphore_mem>>) {add = true}
      %dma_wait3A_98 = arith.constant 0 : i32
      %dma_wait3A_99 = arith.constant 0 : i32
      %dma_wait3A_100 = arith.constant 0 : i32
      %dma_wait3A_101 = tpu.memref_slice %arg11[%dma_wait3A_98, %dma_wait3A_99, %dma_wait3A_100] : memref<4x50x128xf32, #tpu.memory_space<vmem>> -> memref<1x50x128xf32, #tpu.memory_space<vmem>>
      %dma_wait3A_102 = tpu.memref_squeeze %dma_wait3A_101 : memref<1x50x128xf32, #tpu.memory_space<vmem>> -> memref<50x128xf32, #tpu.memory_space<vmem>>
      %dma_wait3A_103 = arith.constant 0 : i32
      %dma_wait3A_104 = tpu.memref_slice %arg10[%add3A_71, %dma_wait3A_103] : memref<200x50xi32, #tpu.memory_space<vmem>> -> memref<1x50xi32, #tpu.memory_space<vmem>>
      %dma_wait3A_105 = tpu.memref_squeeze %dma_wait3A_104 : memref<1x50xi32, #tpu.memory_space<vmem>> -> memref<50xi32, #tpu.memory_space<vmem>>
      %dma_wait3A_106 = arith.constant 0 : i32
      %dma_wait3A_107 = arith.constant 0 : i32
      %dma_wait3A_108 = tpu.memref_slice %arg12[%dma_wait3A_106, %dma_wait3A_107] : memref<10112x128xf32, #tpu.memory_space<vmem_shared>> -> memref<10112x128xf32, #tpu.memory_space<vmem_shared>>
      tpu.wait_indirect_dma semaphore(%arg17 : memref<!tpu.dma_semaphore, #tpu.memory_space<semaphore_mem>>) src(%dma_wait3A_102 : memref<50x128xf32, #tpu.memory_space<vmem>>) dst(%dma_wait3A_108 : memref<10112x128xf32, #tpu.memory_space<vmem_shared>>)
      %dma_wait3A_109 = arith.constant 0 : i32
      %dma_wait3A_110 = tpu.memref_slice %arg10[%add3A_71, %dma_wait3A_109] : memref<200x50xi32, #tpu.memory_space<vmem>> -> memref<1x50xi32, #tpu.memory_space<vmem>>
      %dma_wait3A_111 = tpu.memref_squeeze %dma_wait3A_110 : memref<1x50xi32, #tpu.memory_space<vmem>> -> memref<50xi32, #tpu.memory_space<vmem>>
      %dma_wait3A_112 = arith.constant 0 : i32
      %dma_wait3A_113 = tpu.memref_slice %arg22[%dma_wait3A_112] : memref<10112xf32, #tpu.memory_space<vmem_shared>> -> memref<10112xf32, #tpu.memory_space<vmem_shared>>
      tpu.wait_indirect_dma semaphore(%arg17 : memref<!tpu.dma_semaphore, #tpu.memory_space<semaphore_mem>>) src(%arg21 : memref<50xf32, #tpu.memory_space<vmem>>) dst(%dma_wait3A_113 : memref<10112xf32, #tpu.memory_space<vmem_shared>>)
      %lt3A = arith.constant 49 : i32
      %lt3A_114 = arith.cmpi slt, %scan3A_67, %lt3A : i32
      %convert_element_type3A = arith.extui %lt3A_114 : i1 to i32
      %cond3A = arith.constant 0 : i32
      %cond3A_115 = arith.cmpi ne, %convert_element_type3A, %cond3A : i32
      scf.if %cond3A_115 {
        %add3A_272 = arith.constant 4 : i32
        %add3A_273 = arith.addi %add3A_71, %add3A_272 : i32
        %dma_start3A_274 = arith.constant 0 : i32
        %dma_start3A_275 = arith.constant 0 : i32
        %dma_start3A_276 = arith.constant 0 : i32
        %dma_start3A_277 = tpu.memref_slice %arg11[%dma_start3A_274, %dma_start3A_275, %dma_start3A_276] : memref<4x50x128xf32, #tpu.memory_space<vmem>> -> memref<1x50x128xf32, #tpu.memory_space<vmem>>
        %dma_start3A_278 = tpu.memref_squeeze %dma_start3A_277 : memref<1x50x128xf32, #tpu.memory_space<vmem>> -> memref<50x128xf32, #tpu.memory_space<vmem>>
        %dma_start3A_279 = arith.constant 0 : i32
        %dma_start3A_280 = tpu.memref_slice %arg9[%add3A_273, %dma_start3A_279] : memref<200x50xi32, #tpu.memory_space<vmem>> -> memref<1x50xi32, #tpu.memory_space<vmem>>
        %dma_start3A_281 = tpu.memref_squeeze %dma_start3A_280 : memref<1x50xi32, #tpu.memory_space<vmem>> -> memref<50xi32, #tpu.memory_space<vmem>>
        %dma_start3A_282 = arith.constant 0 : i32
        %dma_start3A_283 = arith.constant 0 : i32
        %dma_start3A_284 = tpu.memref_slice %arg2[%dma_start3A_282, %dma_start3A_283] : memref<10000x128xf32, #tpu.memory_space<hbm>> -> memref<10000x128xf32, #tpu.memory_space<hbm>>
        tpu.enqueue_indirect_dma source(%dma_start3A_284 : memref<10000x128xf32, #tpu.memory_space<hbm>>) target(%dma_start3A_278 : memref<50x128xf32, #tpu.memory_space<vmem>>) offsets(%dma_start3A_281 : memref<50xi32, #tpu.memory_space<vmem>>) semaphore(%arg13 : memref<!tpu.dma_semaphore, #tpu.memory_space<semaphore_mem>>)
      } else {
      }
      %mul3A_116 = arith.constant 4 : i32
      %mul3A_117 = arith.muli %scan3A_67, %mul3A_116 : i32
      %add3A_118 = arith.constant 1 : i32
      %add3A_119 = arith.addi %mul3A_117, %add3A_118 : i32
      %dma_wait3A_120 = arith.constant 1 : i32
      %dma_wait3A_121 = arith.constant 0 : i32
      %dma_wait3A_122 = arith.constant 0 : i32
      %dma_wait3A_123 = tpu.memref_slice %arg11[%dma_wait3A_120, %dma_wait3A_121, %dma_wait3A_122] : memref<4x50x128xf32, #tpu.memory_space<vmem>> -> memref<1x50x128xf32, #tpu.memory_space<vmem>>
      %dma_wait3A_124 = tpu.memref_squeeze %dma_wait3A_123 : memref<1x50x128xf32, #tpu.memory_space<vmem>> -> memref<50x128xf32, #tpu.memory_space<vmem>>
      %dma_wait3A_125 = arith.constant 0 : i32
      %dma_wait3A_126 = tpu.memref_slice %arg9[%add3A_119, %dma_wait3A_125] : memref<200x50xi32, #tpu.memory_space<vmem>> -> memref<1x50xi32, #tpu.memory_space<vmem>>
      %dma_wait3A_127 = tpu.memref_squeeze %dma_wait3A_126 : memref<1x50xi32, #tpu.memory_space<vmem>> -> memref<50xi32, #tpu.memory_space<vmem>>
      %dma_wait3A_128 = arith.constant 0 : i32
      %dma_wait3A_129 = arith.constant 0 : i32
      %dma_wait3A_130 = tpu.memref_slice %arg2[%dma_wait3A_128, %dma_wait3A_129] : memref<10000x128xf32, #tpu.memory_space<hbm>> -> memref<10000x128xf32, #tpu.memory_space<hbm>>
      tpu.wait_indirect_dma semaphore(%arg14 : memref<!tpu.dma_semaphore, #tpu.memory_space<semaphore_mem>>) src(%dma_wait3A_130 : memref<10000x128xf32, #tpu.memory_space<hbm>>) dst(%dma_wait3A_124 : memref<50x128xf32, #tpu.memory_space<vmem>>)
      %dma_start3A_131 = arith.constant 1 : i32
      %dma_start3A_132 = arith.constant 0 : i32
      %dma_start3A_133 = arith.constant 0 : i32
      %dma_start3A_134 = tpu.memref_slice %arg11[%dma_start3A_131, %dma_start3A_132, %dma_start3A_133] : memref<4x50x128xf32, #tpu.memory_space<vmem>> -> memref<1x50x128xf32, #tpu.memory_space<vmem>>
      %dma_start3A_135 = tpu.memref_squeeze %dma_start3A_134 : memref<1x50x128xf32, #tpu.memory_space<vmem>> -> memref<50x128xf32, #tpu.memory_space<vmem>>
      %dma_start3A_136 = arith.constant 0 : i32
      %dma_start3A_137 = tpu.memref_slice %arg10[%add3A_119, %dma_start3A_136] : memref<200x50xi32, #tpu.memory_space<vmem>> -> memref<1x50xi32, #tpu.memory_space<vmem>>
      %dma_start3A_138 = tpu.memref_squeeze %dma_start3A_137 : memref<1x50xi32, #tpu.memory_space<vmem>> -> memref<50xi32, #tpu.memory_space<vmem>>
      %dma_start3A_139 = arith.constant 0 : i32
      %dma_start3A_140 = arith.constant 0 : i32
      %dma_start3A_141 = tpu.memref_slice %arg12[%dma_start3A_139, %dma_start3A_140] : memref<10112x128xf32, #tpu.memory_space<vmem_shared>> -> memref<10112x128xf32, #tpu.memory_space<vmem_shared>>
      tpu.enqueue_indirect_dma source(%dma_start3A_135 : memref<50x128xf32, #tpu.memory_space<vmem>>) target(%dma_start3A_141 : memref<10112x128xf32, #tpu.memory_space<vmem_shared>>) offsets(%dma_start3A_138 : memref<50xi32, #tpu.memory_space<vmem>>) semaphore(%arg18 : memref<!tpu.dma_semaphore, #tpu.memory_space<semaphore_mem>>) {add = true}
      %dma_start3A_142 = arith.constant 0 : i32
      %dma_start3A_143 = tpu.memref_slice %arg10[%add3A_119, %dma_start3A_142] : memref<200x50xi32, #tpu.memory_space<vmem>> -> memref<1x50xi32, #tpu.memory_space<vmem>>
      %dma_start3A_144 = tpu.memref_squeeze %dma_start3A_143 : memref<1x50xi32, #tpu.memory_space<vmem>> -> memref<50xi32, #tpu.memory_space<vmem>>
      %dma_start3A_145 = arith.constant 0 : i32
      %dma_start3A_146 = tpu.memref_slice %arg22[%dma_start3A_145] : memref<10112xf32, #tpu.memory_space<vmem_shared>> -> memref<10112xf32, #tpu.memory_space<vmem_shared>>
      tpu.enqueue_indirect_dma source(%arg21 : memref<50xf32, #tpu.memory_space<vmem>>) target(%dma_start3A_146 : memref<10112xf32, #tpu.memory_space<vmem_shared>>) offsets(%dma_start3A_144 : memref<50xi32, #tpu.memory_space<vmem>>) semaphore(%arg18 : memref<!tpu.dma_semaphore, #tpu.memory_space<semaphore_mem>>) {add = true}
      %dma_wait3A_147 = arith.constant 1 : i32
      %dma_wait3A_148 = arith.constant 0 : i32
      %dma_wait3A_149 = arith.constant 0 : i32
      %dma_wait3A_150 = tpu.memref_slice %arg11[%dma_wait3A_147, %dma_wait3A_148, %dma_wait3A_149] : memref<4x50x128xf32, #tpu.memory_space<vmem>> -> memref<1x50x128xf32, #tpu.memory_space<vmem>>
      %dma_wait3A_151 = tpu.memref_squeeze %dma_wait3A_150 : memref<1x50x128xf32, #tpu.memory_space<vmem>> -> memref<50x128xf32, #tpu.memory_space<vmem>>
      %dma_wait3A_152 = arith.constant 0 : i32
      %dma_wait3A_153 = tpu.memref_slice %arg10[%add3A_119, %dma_wait3A_152] : memref<200x50xi32, #tpu.memory_space<vmem>> -> memref<1x50xi32, #tpu.memory_space<vmem>>
      %dma_wait3A_154 = tpu.memref_squeeze %dma_wait3A_153 : memref<1x50xi32, #tpu.memory_space<vmem>> -> memref<50xi32, #tpu.memory_space<vmem>>
      %dma_wait3A_155 = arith.constant 0 : i32
      %dma_wait3A_156 = arith.constant 0 : i32
      %dma_wait3A_157 = tpu.memref_slice %arg12[%dma_wait3A_155, %dma_wait3A_156] : memref<10112x128xf32, #tpu.memory_space<vmem_shared>> -> memref<10112x128xf32, #tpu.memory_space<vmem_shared>>
      tpu.wait_indirect_dma semaphore(%arg18 : memref<!tpu.dma_semaphore, #tpu.memory_space<semaphore_mem>>) src(%dma_wait3A_151 : memref<50x128xf32, #tpu.memory_space<vmem>>) dst(%dma_wait3A_157 : memref<10112x128xf32, #tpu.memory_space<vmem_shared>>)
      %dma_wait3A_158 = arith.constant 0 : i32
      %dma_wait3A_159 = tpu.memref_slice %arg10[%add3A_119, %dma_wait3A_158] : memref<200x50xi32, #tpu.memory_space<vmem>> -> memref<1x50xi32, #tpu.memory_space<vmem>>
      %dma_wait3A_160 = tpu.memref_squeeze %dma_wait3A_159 : memref<1x50xi32, #tpu.memory_space<vmem>> -> memref<50xi32, #tpu.memory_space<vmem>>
      %dma_wait3A_161 = arith.constant 0 : i32
      %dma_wait3A_162 = tpu.memref_slice %arg22[%dma_wait3A_161] : memref<10112xf32, #tpu.memory_space<vmem_shared>> -> memref<10112xf32, #tpu.memory_space<vmem_shared>>
      tpu.wait_indirect_dma semaphore(%arg18 : memref<!tpu.dma_semaphore, #tpu.memory_space<semaphore_mem>>) src(%arg21 : memref<50xf32, #tpu.memory_space<vmem>>) dst(%dma_wait3A_162 : memref<10112xf32, #tpu.memory_space<vmem_shared>>)
      %lt3A_163 = arith.constant 49 : i32
      %lt3A_164 = arith.cmpi slt, %scan3A_67, %lt3A_163 : i32
      %convert_element_type3A_165 = arith.extui %lt3A_164 : i1 to i32
      %cond3A_166 = arith.constant 0 : i32
      %cond3A_167 = arith.cmpi ne, %convert_element_type3A_165, %cond3A_166 : i32
      scf.if %cond3A_167 {
        %add3A_272 = arith.constant 4 : i32
        %add3A_273 = arith.addi %add3A_119, %add3A_272 : i32
        %dma_start3A_274 = arith.constant 1 : i32
        %dma_start3A_275 = arith.constant 0 : i32
        %dma_start3A_276 = arith.constant 0 : i32
        %dma_start3A_277 = tpu.memref_slice %arg11[%dma_start3A_274, %dma_start3A_275, %dma_start3A_276] : memref<4x50x128xf32, #tpu.memory_space<vmem>> -> memref<1x50x128xf32, #tpu.memory_space<vmem>>
        %dma_start3A_278 = tpu.memref_squeeze %dma_start3A_277 : memref<1x50x128xf32, #tpu.memory_space<vmem>> -> memref<50x128xf32, #tpu.memory_space<vmem>>
        %dma_start3A_279 = arith.constant 0 : i32
        %dma_start3A_280 = tpu.memref_slice %arg9[%add3A_273, %dma_start3A_279] : memref<200x50xi32, #tpu.memory_space<vmem>> -> memref<1x50xi32, #tpu.memory_space<vmem>>
        %dma_start3A_281 = tpu.memref_squeeze %dma_start3A_280 : memref<1x50xi32, #tpu.memory_space<vmem>> -> memref<50xi32, #tpu.memory_space<vmem>>
        %dma_start3A_282 = arith.constant 0 : i32
        %dma_start3A_283 = arith.constant 0 : i32
        %dma_start3A_284 = tpu.memref_slice %arg2[%dma_start3A_282, %dma_start3A_283] : memref<10000x128xf32, #tpu.memory_space<hbm>> -> memref<10000x128xf32, #tpu.memory_space<hbm>>
        tpu.enqueue_indirect_dma source(%dma_start3A_284 : memref<10000x128xf32, #tpu.memory_space<hbm>>) target(%dma_start3A_278 : memref<50x128xf32, #tpu.memory_space<vmem>>) offsets(%dma_start3A_281 : memref<50xi32, #tpu.memory_space<vmem>>) semaphore(%arg14 : memref<!tpu.dma_semaphore, #tpu.memory_space<semaphore_mem>>)
      } else {
      }
      %mul3A_168 = arith.constant 4 : i32
      %mul3A_169 = arith.muli %scan3A_67, %mul3A_168 : i32
      %add3A_170 = arith.constant 2 : i32
      %add3A_171 = arith.addi %mul3A_169, %add3A_170 : i32
      %dma_wait3A_172 = arith.constant 2 : i32
      %dma_wait3A_173 = arith.constant 0 : i32
      %dma_wait3A_174 = arith.constant 0 : i32
      %dma_wait3A_175 = tpu.memref_slice %arg11[%dma_wait3A_172, %dma_wait3A_173, %dma_wait3A_174] : memref<4x50x128xf32, #tpu.memory_space<vmem>> -> memref<1x50x128xf32, #tpu.memory_space<vmem>>
      %dma_wait3A_176 = tpu.memref_squeeze %dma_wait3A_175 : memref<1x50x128xf32, #tpu.memory_space<vmem>> -> memref<50x128xf32, #tpu.memory_space<vmem>>
      %dma_wait3A_177 = arith.constant 0 : i32
      %dma_wait3A_178 = tpu.memref_slice %arg9[%add3A_171, %dma_wait3A_177] : memref<200x50xi32, #tpu.memory_space<vmem>> -> memref<1x50xi32, #tpu.memory_space<vmem>>
      %dma_wait3A_179 = tpu.memref_squeeze %dma_wait3A_178 : memref<1x50xi32, #tpu.memory_space<vmem>> -> memref<50xi32, #tpu.memory_space<vmem>>
      %dma_wait3A_180 = arith.constant 0 : i32
      %dma_wait3A_181 = arith.constant 0 : i32
      %dma_wait3A_182 = tpu.memref_slice %arg2[%dma_wait3A_180, %dma_wait3A_181] : memref<10000x128xf32, #tpu.memory_space<hbm>> -> memref<10000x128xf32, #tpu.memory_space<hbm>>
      tpu.wait_indirect_dma semaphore(%arg15 : memref<!tpu.dma_semaphore, #tpu.memory_space<semaphore_mem>>) src(%dma_wait3A_182 : memref<10000x128xf32, #tpu.memory_space<hbm>>) dst(%dma_wait3A_176 : memref<50x128xf32, #tpu.memory_space<vmem>>)
      %dma_start3A_183 = arith.constant 2 : i32
      %dma_start3A_184 = arith.constant 0 : i32
      %dma_start3A_185 = arith.constant 0 : i32
      %dma_start3A_186 = tpu.memref_slice %arg11[%dma_start3A_183, %dma_start3A_184, %dma_start3A_185] : memref<4x50x128xf32, #tpu.memory_space<vmem>> -> memref<1x50x128xf32, #tpu.memory_space<vmem>>
      %dma_start3A_187 = tpu.memref_squeeze %dma_start3A_186 : memref<1x50x128xf32, #tpu.memory_space<vmem>> -> memref<50x128xf32, #tpu.memory_space<vmem>>
      %dma_start3A_188 = arith.constant 0 : i32
      %dma_start3A_189 = tpu.memref_slice %arg10[%add3A_171, %dma_start3A_188] : memref<200x50xi32, #tpu.memory_space<vmem>> -> memref<1x50xi32, #tpu.memory_space<vmem>>
      %dma_start3A_190 = tpu.memref_squeeze %dma_start3A_189 : memref<1x50xi32, #tpu.memory_space<vmem>> -> memref<50xi32, #tpu.memory_space<vmem>>
      %dma_start3A_191 = arith.constant 0 : i32
      %dma_start3A_192 = arith.constant 0 : i32
      %dma_start3A_193 = tpu.memref_slice %arg12[%dma_start3A_191, %dma_start3A_192] : memref<10112x128xf32, #tpu.memory_space<vmem_shared>> -> memref<10112x128xf32, #tpu.memory_space<vmem_shared>>
      tpu.enqueue_indirect_dma source(%dma_start3A_187 : memref<50x128xf32, #tpu.memory_space<vmem>>) target(%dma_start3A_193 : memref<10112x128xf32, #tpu.memory_space<vmem_shared>>) offsets(%dma_start3A_190 : memref<50xi32, #tpu.memory_space<vmem>>) semaphore(%arg19 : memref<!tpu.dma_semaphore, #tpu.memory_space<semaphore_mem>>) {add = true}
      %dma_start3A_194 = arith.constant 0 : i32
      %dma_start3A_195 = tpu.memref_slice %arg10[%add3A_171, %dma_start3A_194] : memref<200x50xi32, #tpu.memory_space<vmem>> -> memref<1x50xi32, #tpu.memory_space<vmem>>
      %dma_start3A_196 = tpu.memref_squeeze %dma_start3A_195 : memref<1x50xi32, #tpu.memory_space<vmem>> -> memref<50xi32, #tpu.memory_space<vmem>>
      %dma_start3A_197 = arith.constant 0 : i32
      %dma_start3A_198 = tpu.memref_slice %arg22[%dma_start3A_197] : memref<10112xf32, #tpu.memory_space<vmem_shared>> -> memref<10112xf32, #tpu.memory_space<vmem_shared>>
      tpu.enqueue_indirect_dma source(%arg21 : memref<50xf32, #tpu.memory_space<vmem>>) target(%dma_start3A_198 : memref<10112xf32, #tpu.memory_space<vmem_shared>>) offsets(%dma_start3A_196 : memref<50xi32, #tpu.memory_space<vmem>>) semaphore(%arg19 : memref<!tpu.dma_semaphore, #tpu.memory_space<semaphore_mem>>) {add = true}
      %dma_wait3A_199 = arith.constant 2 : i32
      %dma_wait3A_200 = arith.constant 0 : i32
      %dma_wait3A_201 = arith.constant 0 : i32
      %dma_wait3A_202 = tpu.memref_slice %arg11[%dma_wait3A_199, %dma_wait3A_200, %dma_wait3A_201] : memref<4x50x128xf32, #tpu.memory_space<vmem>> -> memref<1x50x128xf32, #tpu.memory_space<vmem>>
      %dma_wait3A_203 = tpu.memref_squeeze %dma_wait3A_202 : memref<1x50x128xf32, #tpu.memory_space<vmem>> -> memref<50x128xf32, #tpu.memory_space<vmem>>
      %dma_wait3A_204 = arith.constant 0 : i32
      %dma_wait3A_205 = tpu.memref_slice %arg10[%add3A_171, %dma_wait3A_204] : memref<200x50xi32, #tpu.memory_space<vmem>> -> memref<1x50xi32, #tpu.memory_space<vmem>>
      %dma_wait3A_206 = tpu.memref_squeeze %dma_wait3A_205 : memref<1x50xi32, #tpu.memory_space<vmem>> -> memref<50xi32, #tpu.memory_space<vmem>>
      %dma_wait3A_207 = arith.constant 0 : i32
      %dma_wait3A_208 = arith.constant 0 : i32
      %dma_wait3A_209 = tpu.memref_slice %arg12[%dma_wait3A_207, %dma_wait3A_208] : memref<10112x128xf32, #tpu.memory_space<vmem_shared>> -> memref<10112x128xf32, #tpu.memory_space<vmem_shared>>
      tpu.wait_indirect_dma semaphore(%arg19 : memref<!tpu.dma_semaphore, #tpu.memory_space<semaphore_mem>>) src(%dma_wait3A_203 : memref<50x128xf32, #tpu.memory_space<vmem>>) dst(%dma_wait3A_209 : memref<10112x128xf32, #tpu.memory_space<vmem_shared>>)
      %dma_wait3A_210 = arith.constant 0 : i32
      %dma_wait3A_211 = tpu.memref_slice %arg10[%add3A_171, %dma_wait3A_210] : memref<200x50xi32, #tpu.memory_space<vmem>> -> memref<1x50xi32, #tpu.memory_space<vmem>>
      %dma_wait3A_212 = tpu.memref_squeeze %dma_wait3A_211 : memref<1x50xi32, #tpu.memory_space<vmem>> -> memref<50xi32, #tpu.memory_space<vmem>>
      %dma_wait3A_213 = arith.constant 0 : i32
      %dma_wait3A_214 = tpu.memref_slice %arg22[%dma_wait3A_213] : memref<10112xf32, #tpu.memory_space<vmem_shared>> -> memref<10112xf32, #tpu.memory_space<vmem_shared>>
      tpu.wait_indirect_dma semaphore(%arg19 : memref<!tpu.dma_semaphore, #tpu.memory_space<semaphore_mem>>) src(%arg21 : memref<50xf32, #tpu.memory_space<vmem>>) dst(%dma_wait3A_214 : memref<10112xf32, #tpu.memory_space<vmem_shared>>)
      %lt3A_215 = arith.constant 49 : i32
      %lt3A_216 = arith.cmpi slt, %scan3A_67, %lt3A_215 : i32
      %convert_element_type3A_217 = arith.extui %lt3A_216 : i1 to i32
      %cond3A_218 = arith.constant 0 : i32
      %cond3A_219 = arith.cmpi ne, %convert_element_type3A_217, %cond3A_218 : i32
      scf.if %cond3A_219 {
        %add3A_272 = arith.constant 4 : i32
        %add3A_273 = arith.addi %add3A_171, %add3A_272 : i32
        %dma_start3A_274 = arith.constant 2 : i32
        %dma_start3A_275 = arith.constant 0 : i32
        %dma_start3A_276 = arith.constant 0 : i32
        %dma_start3A_277 = tpu.memref_slice %arg11[%dma_start3A_274, %dma_start3A_275, %dma_start3A_276] : memref<4x50x128xf32, #tpu.memory_space<vmem>> -> memref<1x50x128xf32, #tpu.memory_space<vmem>>
        %dma_start3A_278 = tpu.memref_squeeze %dma_start3A_277 : memref<1x50x128xf32, #tpu.memory_space<vmem>> -> memref<50x128xf32, #tpu.memory_space<vmem>>
        %dma_start3A_279 = arith.constant 0 : i32
        %dma_start3A_280 = tpu.memref_slice %arg9[%add3A_273, %dma_start3A_279] : memref<200x50xi32, #tpu.memory_space<vmem>> -> memref<1x50xi32, #tpu.memory_space<vmem>>
        %dma_start3A_281 = tpu.memref_squeeze %dma_start3A_280 : memref<1x50xi32, #tpu.memory_space<vmem>> -> memref<50xi32, #tpu.memory_space<vmem>>
        %dma_start3A_282 = arith.constant 0 : i32
        %dma_start3A_283 = arith.constant 0 : i32
        %dma_start3A_284 = tpu.memref_slice %arg2[%dma_start3A_282, %dma_start3A_283] : memref<10000x128xf32, #tpu.memory_space<hbm>> -> memref<10000x128xf32, #tpu.memory_space<hbm>>
        tpu.enqueue_indirect_dma source(%dma_start3A_284 : memref<10000x128xf32, #tpu.memory_space<hbm>>) target(%dma_start3A_278 : memref<50x128xf32, #tpu.memory_space<vmem>>) offsets(%dma_start3A_281 : memref<50xi32, #tpu.memory_space<vmem>>) semaphore(%arg15 : memref<!tpu.dma_semaphore, #tpu.memory_space<semaphore_mem>>)
      } else {
      }
      %mul3A_220 = arith.constant 4 : i32
      %mul3A_221 = arith.muli %scan3A_67, %mul3A_220 : i32
      %add3A_222 = arith.constant 3 : i32
      %add3A_223 = arith.addi %mul3A_221, %add3A_222 : i32
      %dma_wait3A_224 = arith.constant 3 : i32
      %dma_wait3A_225 = arith.constant 0 : i32
      %dma_wait3A_226 = arith.constant 0 : i32
      %dma_wait3A_227 = tpu.memref_slice %arg11[%dma_wait3A_224, %dma_wait3A_225, %dma_wait3A_226] : memref<4x50x128xf32, #tpu.memory_space<vmem>> -> memref<1x50x128xf32, #tpu.memory_space<vmem>>
      %dma_wait3A_228 = tpu.memref_squeeze %dma_wait3A_227 : memref<1x50x128xf32, #tpu.memory_space<vmem>> -> memref<50x128xf32, #tpu.memory_space<vmem>>
      %dma_wait3A_229 = arith.constant 0 : i32
      %dma_wait3A_230 = tpu.memref_slice %arg9[%add3A_223, %dma_wait3A_229] : memref<200x50xi32, #tpu.memory_space<vmem>> -> memref<1x50xi32, #tpu.memory_space<vmem>>
      %dma_wait3A_231 = tpu.memref_squeeze %dma_wait3A_230 : memref<1x50xi32, #tpu.memory_space<vmem>> -> memref<50xi32, #tpu.memory_space<vmem>>
      %dma_wait3A_232 = arith.constant 0 : i32
      %dma_wait3A_233 = arith.constant 0 : i32
      %dma_wait3A_234 = tpu.memref_slice %arg2[%dma_wait3A_232, %dma_wait3A_233] : memref<10000x128xf32, #tpu.memory_space<hbm>> -> memref<10000x128xf32, #tpu.memory_space<hbm>>
      tpu.wait_indirect_dma semaphore(%arg16 : memref<!tpu.dma_semaphore, #tpu.memory_space<semaphore_mem>>) src(%dma_wait3A_234 : memref<10000x128xf32, #tpu.memory_space<hbm>>) dst(%dma_wait3A_228 : memref<50x128xf32, #tpu.memory_space<vmem>>)
      %dma_start3A_235 = arith.constant 3 : i32
      %dma_start3A_236 = arith.constant 0 : i32
      %dma_start3A_237 = arith.constant 0 : i32
      %dma_start3A_238 = tpu.memref_slice %arg11[%dma_start3A_235, %dma_start3A_236, %dma_start3A_237] : memref<4x50x128xf32, #tpu.memory_space<vmem>> -> memref<1x50x128xf32, #tpu.memory_space<vmem>>
      %dma_start3A_239 = tpu.memref_squeeze %dma_start3A_238 : memref<1x50x128xf32, #tpu.memory_space<vmem>> -> memref<50x128xf32, #tpu.memory_space<vmem>>
      %dma_start3A_240 = arith.constant 0 : i32
      %dma_start3A_241 = tpu.memref_slice %arg10[%add3A_223, %dma_start3A_240] : memref<200x50xi32, #tpu.memory_space<vmem>> -> memref<1x50xi32, #tpu.memory_space<vmem>>
      %dma_start3A_242 = tpu.memref_squeeze %dma_start3A_241 : memref<1x50xi32, #tpu.memory_space<vmem>> -> memref<50xi32, #tpu.memory_space<vmem>>
      %dma_start3A_243 = arith.constant 0 : i32
      %dma_start3A_244 = arith.constant 0 : i32
      %dma_start3A_245 = tpu.memref_slice %arg12[%dma_start3A_243, %dma_start3A_244] : memref<10112x128xf32, #tpu.memory_space<vmem_shared>> -> memref<10112x128xf32, #tpu.memory_space<vmem_shared>>
      tpu.enqueue_indirect_dma source(%dma_start3A_239 : memref<50x128xf32, #tpu.memory_space<vmem>>) target(%dma_start3A_245 : memref<10112x128xf32, #tpu.memory_space<vmem_shared>>) offsets(%dma_start3A_242 : memref<50xi32, #tpu.memory_space<vmem>>) semaphore(%arg20 : memref<!tpu.dma_semaphore, #tpu.memory_space<semaphore_mem>>) {add = true}
      %dma_start3A_246 = arith.constant 0 : i32
      %dma_start3A_247 = tpu.memref_slice %arg10[%add3A_223, %dma_start3A_246] : memref<200x50xi32, #tpu.memory_space<vmem>> -> memref<1x50xi32, #tpu.memory_space<vmem>>
      %dma_start3A_248 = tpu.memref_squeeze %dma_start3A_247 : memref<1x50xi32, #tpu.memory_space<vmem>> -> memref<50xi32, #tpu.memory_space<vmem>>
      %dma_start3A_249 = arith.constant 0 : i32
      %dma_start3A_250 = tpu.memref_slice %arg22[%dma_start3A_249] : memref<10112xf32, #tpu.memory_space<vmem_shared>> -> memref<10112xf32, #tpu.memory_space<vmem_shared>>
      tpu.enqueue_indirect_dma source(%arg21 : memref<50xf32, #tpu.memory_space<vmem>>) target(%dma_start3A_250 : memref<10112xf32, #tpu.memory_space<vmem_shared>>) offsets(%dma_start3A_248 : memref<50xi32, #tpu.memory_space<vmem>>) semaphore(%arg20 : memref<!tpu.dma_semaphore, #tpu.memory_space<semaphore_mem>>) {add = true}
      %dma_wait3A_251 = arith.constant 3 : i32
      %dma_wait3A_252 = arith.constant 0 : i32
      %dma_wait3A_253 = arith.constant 0 : i32
      %dma_wait3A_254 = tpu.memref_slice %arg11[%dma_wait3A_251, %dma_wait3A_252, %dma_wait3A_253] : memref<4x50x128xf32, #tpu.memory_space<vmem>> -> memref<1x50x128xf32, #tpu.memory_space<vmem>>
      %dma_wait3A_255 = tpu.memref_squeeze %dma_wait3A_254 : memref<1x50x128xf32, #tpu.memory_space<vmem>> -> memref<50x128xf32, #tpu.memory_space<vmem>>
      %dma_wait3A_256 = arith.constant 0 : i32
      %dma_wait3A_257 = tpu.memref_slice %arg10[%add3A_223, %dma_wait3A_256] : memref<200x50xi32, #tpu.memory_space<vmem>> -> memref<1x50xi32, #tpu.memory_space<vmem>>
      %dma_wait3A_258 = tpu.memref_squeeze %dma_wait3A_257 : memref<1x50xi32, #tpu.memory_space<vmem>> -> memref<50xi32, #tpu.memory_space<vmem>>
      %dma_wait3A_259 = arith.constant 0 : i32
      %dma_wait3A_260 = arith.constant 0 : i32
      %dma_wait3A_261 = tpu.memref_slice %arg12[%dma_wait3A_259, %dma_wait3A_260] : memref<10112x128xf32, #tpu.memory_space<vmem_shared>> -> memref<10112x128xf32, #tpu.memory_space<vmem_shared>>
      tpu.wait_indirect_dma semaphore(%arg20 : memref<!tpu.dma_semaphore, #tpu.memory_space<semaphore_mem>>) src(%dma_wait3A_255 : memref<50x128xf32, #tpu.memory_space<vmem>>) dst(%dma_wait3A_261 : memref<10112x128xf32, #tpu.memory_space<vmem_shared>>)
      %dma_wait3A_262 = arith.constant 0 : i32
      %dma_wait3A_263 = tpu.memref_slice %arg10[%add3A_223, %dma_wait3A_262] : memref<200x50xi32, #tpu.memory_space<vmem>> -> memref<1x50xi32, #tpu.memory_space<vmem>>
      %dma_wait3A_264 = tpu.memref_squeeze %dma_wait3A_263 : memref<1x50xi32, #tpu.memory_space<vmem>> -> memref<50xi32, #tpu.memory_space<vmem>>
      %dma_wait3A_265 = arith.constant 0 : i32
      %dma_wait3A_266 = tpu.memref_slice %arg22[%dma_wait3A_265] : memref<10112xf32, #tpu.memory_space<vmem_shared>> -> memref<10112xf32, #tpu.memory_space<vmem_shared>>
      tpu.wait_indirect_dma semaphore(%arg20 : memref<!tpu.dma_semaphore, #tpu.memory_space<semaphore_mem>>) src(%arg21 : memref<50xf32, #tpu.memory_space<vmem>>) dst(%dma_wait3A_266 : memref<10112xf32, #tpu.memory_space<vmem_shared>>)
      %lt3A_267 = arith.constant 49 : i32
      %lt3A_268 = arith.cmpi slt, %scan3A_67, %lt3A_267 : i32
      %convert_element_type3A_269 = arith.extui %lt3A_268 : i1 to i32
      %cond3A_270 = arith.constant 0 : i32
      %cond3A_271 = arith.cmpi ne, %convert_element_type3A_269, %cond3A_270 : i32
      scf.if %cond3A_271 {
        %add3A_272 = arith.constant 4 : i32
        %add3A_273 = arith.addi %add3A_223, %add3A_272 : i32
        %dma_start3A_274 = arith.constant 3 : i32
        %dma_start3A_275 = arith.constant 0 : i32
        %dma_start3A_276 = arith.constant 0 : i32
        %dma_start3A_277 = tpu.memref_slice %arg11[%dma_start3A_274, %dma_start3A_275, %dma_start3A_276] : memref<4x50x128xf32, #tpu.memory_space<vmem>> -> memref<1x50x128xf32, #tpu.memory_space<vmem>>
        %dma_start3A_278 = tpu.memref_squeeze %dma_start3A_277 : memref<1x50x128xf32, #tpu.memory_space<vmem>> -> memref<50x128xf32, #tpu.memory_space<vmem>>
        %dma_start3A_279 = arith.constant 0 : i32
        %dma_start3A_280 = tpu.memref_slice %arg9[%add3A_273, %dma_start3A_279] : memref<200x50xi32, #tpu.memory_space<vmem>> -> memref<1x50xi32, #tpu.memory_space<vmem>>
        %dma_start3A_281 = tpu.memref_squeeze %dma_start3A_280 : memref<1x50xi32, #tpu.memory_space<vmem>> -> memref<50xi32, #tpu.memory_space<vmem>>
        %dma_start3A_282 = arith.constant 0 : i32
        %dma_start3A_283 = arith.constant 0 : i32
        %dma_start3A_284 = tpu.memref_slice %arg2[%dma_start3A_282, %dma_start3A_283] : memref<10000x128xf32, #tpu.memory_space<hbm>> -> memref<10000x128xf32, #tpu.memory_space<hbm>>
        tpu.enqueue_indirect_dma source(%dma_start3A_284 : memref<10000x128xf32, #tpu.memory_space<hbm>>) target(%dma_start3A_278 : memref<50x128xf32, #tpu.memory_space<vmem>>) offsets(%dma_start3A_281 : memref<50xi32, #tpu.memory_space<vmem>>) semaphore(%arg16 : memref<!tpu.dma_semaphore, #tpu.memory_space<semaphore_mem>>)
      } else {
      }
    }
    %scan3A_57 = arith.constant 50 : i32
    %barrier3A_58 = arith.constant 0 : index
    tpu.barrier barrier_id(%barrier3A_58)
    %mul3A_59 = arith.constant 632 : i32
    %mul3A_60 = arith.muli %arg1, %mul3A_59 : i32
    %mul3A_61 = arith.constant 632 : i32
    %mul3A_62 = arith.muli %arg1, %mul3A_61 : i32
    "tpu.region"() ({
      %run_scoped3A_67 = tpu.sem_alloc : memref<!tpu.dma_semaphore, #tpu.memory_space<semaphore_mem>>
      %dma_start3A_68 = arith.constant 0 : i32
      %dma_start3A_69 = arith.constant 0 : i32
      %dma_start3A_70 = tpu.memref_slice %arg7[%arg0, %dma_start3A_68, %dma_start3A_69] : memref<2x10112x128xf32, #tpu.memory_space<hbm>> -> memref<1x10112x128xf32, #tpu.memory_space<hbm>>
      %dma_start3A_71 = tpu.memref_squeeze %dma_start3A_70 : memref<1x10112x128xf32, #tpu.memory_space<hbm>> -> memref<10112x128xf32, #tpu.memory_space<hbm>>
      %dma_start3A_72 = arith.constant 0 : i32
      %dma_start3A_73 = tpu.memref_slice %dma_start3A_71[%mul3A_62, %dma_start3A_72] : memref<10112x128xf32, #tpu.memory_space<hbm>> -> memref<632x128xf32, #tpu.memory_space<hbm>>
      %dma_start3A_74 = arith.constant 0 : i32
      %dma_start3A_75 = tpu.memref_slice %arg12[%mul3A_60, %dma_start3A_74] : memref<10112x128xf32, #tpu.memory_space<vmem_shared>> -> memref<632x128xf32, #tpu.memory_space<vmem_shared>>
      tpu.enqueue_dma source(%dma_start3A_75 : memref<632x128xf32, #tpu.memory_space<vmem_shared>>) target(%dma_start3A_73 : memref<632x128xf32, #tpu.memory_space<hbm>>) target_semaphore(%run_scoped3A_67 : memref<!tpu.dma_semaphore, #tpu.memory_space<semaphore_mem>>)
      %dma_wait3A = arith.constant 0 : i32
      %dma_wait3A_76 = arith.constant 0 : i32
      %dma_wait3A_77 = tpu.memref_slice %arg7[%arg0, %dma_wait3A, %dma_wait3A_76] : memref<2x10112x128xf32, #tpu.memory_space<hbm>> -> memref<1x10112x128xf32, #tpu.memory_space<hbm>>
      %dma_wait3A_78 = tpu.memref_squeeze %dma_wait3A_77 : memref<1x10112x128xf32, #tpu.memory_space<hbm>> -> memref<10112x128xf32, #tpu.memory_space<hbm>>
      %dma_wait3A_79 = arith.constant 0 : i32
      %dma_wait3A_80 = tpu.memref_slice %dma_wait3A_78[%mul3A_62, %dma_wait3A_79] : memref<10112x128xf32, #tpu.memory_space<hbm>> -> memref<632x128xf32, #tpu.memory_space<hbm>>
      %dma_wait3A_81 = arith.constant 0 : i32
      %dma_wait3A_82 = tpu.memref_slice %arg12[%mul3A_60, %dma_wait3A_81] : memref<10112x128xf32, #tpu.memory_space<vmem_shared>> -> memref<632x128xf32, #tpu.memory_space<vmem_shared>>
      tpu.wait_dma2 semaphore(%run_scoped3A_67 : memref<!tpu.dma_semaphore, #tpu.memory_space<semaphore_mem>>) src(%dma_wait3A_82 : memref<632x128xf32, #tpu.memory_space<vmem_shared>>) dst(%dma_wait3A_80 : memref<632x128xf32, #tpu.memory_space<hbm>>)
      tpu.yield
    }) : () -> ()
    %mul3A_63 = arith.constant 632 : i32
    %mul3A_64 = arith.muli %arg1, %mul3A_63 : i32
    %mul3A_65 = arith.constant 632 : i32
    %mul3A_66 = arith.muli %arg1, %mul3A_65 : i32
    "tpu.region"() ({
      %run_scoped3A_67 = tpu.sem_alloc : memref<!tpu.dma_semaphore, #tpu.memory_space<semaphore_mem>>
      %dma_start3A_68 = arith.constant 0 : i32
      %dma_start3A_69 = tpu.memref_slice %arg8[%arg0, %dma_start3A_68] : memref<2x10112xf32, #tpu.memory_space<hbm>> -> memref<1x10112xf32, #tpu.memory_space<hbm>>
      %dma_start3A_70 = tpu.memref_squeeze %dma_start3A_69 : memref<1x10112xf32, #tpu.memory_space<hbm>> -> memref<10112xf32, #tpu.memory_space<hbm>>
      %dma_start3A_71 = tpu.memref_slice %dma_start3A_70[%mul3A_66] : memref<10112xf32, #tpu.memory_space<hbm>> -> memref<632xf32, #tpu.memory_space<hbm>>
      %dma_start3A_72 = tpu.memref_slice %arg22[%mul3A_64] : memref<10112xf32, #tpu.memory_space<vmem_shared>> -> memref<632xf32, #tpu.memory_space<vmem_shared>>
      tpu.enqueue_dma source(%dma_start3A_72 : memref<632xf32, #tpu.memory_space<vmem_shared>>) target(%dma_start3A_71 : memref<632xf32, #tpu.memory_space<hbm>>) target_semaphore(%run_scoped3A_67 : memref<!tpu.dma_semaphore, #tpu.memory_space<semaphore_mem>>)
      %dma_wait3A = arith.constant 0 : i32
      %dma_wait3A_73 = tpu.memref_slice %arg8[%arg0, %dma_wait3A] : memref<2x10112xf32, #tpu.memory_space<hbm>> -> memref<1x10112xf32, #tpu.memory_space<hbm>>
      %dma_wait3A_74 = tpu.memref_squeeze %dma_wait3A_73 : memref<1x10112xf32, #tpu.memory_space<hbm>> -> memref<10112xf32, #tpu.memory_space<hbm>>
      %dma_wait3A_75 = tpu.memref_slice %dma_wait3A_74[%mul3A_66] : memref<10112xf32, #tpu.memory_space<hbm>> -> memref<632xf32, #tpu.memory_space<hbm>>
      %dma_wait3A_76 = tpu.memref_slice %arg22[%mul3A_64] : memref<10112xf32, #tpu.memory_space<vmem_shared>> -> memref<632xf32, #tpu.memory_space<vmem_shared>>
      tpu.wait_dma2 semaphore(%run_scoped3A_67 : memref<!tpu.dma_semaphore, #tpu.memory_space<semaphore_mem>>) src(%dma_wait3A_76 : memref<632xf32, #tpu.memory_space<vmem_shared>>) dst(%dma_wait3A_75 : memref<632xf32, #tpu.memory_space<hbm>>)
      tpu.yield
    }) : () -> ()
    return
  }
}

#map = affine_map<(d0, d1) -> (0, 0)>
#map1 = affine_map<(d0, d1) -> (0, 0, 0, 0)>
#map2 = affine_map<(d0, d1) -> (0)>
#map3 = affine_map<(d0, d1) -> (0, 0, 0)>
module attributes {stable_mosaic.version = 14 : i64} {
  func.func @body(%arg0: i32, %arg1: i32, %arg2: memref<10000x16xf32, #tpu.memory_space<hbm>>, %arg3: memref<2x32x200x50xi32, #tpu.memory_space<hbm>>, %arg4: memref<632x16xf32, #tpu.memory_space<hbm>>, %arg5: memref<632xf32, #tpu.memory_space<hbm>>, %arg6: memref<50xf32, #tpu.memory_space<hbm>>, %arg7: memref<2x10112x16xf32, #tpu.memory_space<hbm>>, %arg8: memref<200x50xi32, #tpu.memory_space<vmem>>, %arg9: memref<200x50xi32, #tpu.memory_space<vmem>>, %arg10: memref<4x50x16xf32, #tpu.memory_space<vmem>>, %arg11: memref<10112x16xf32, #tpu.memory_space<vmem_shared>>, %arg12: memref<!tpu.dma_semaphore, #tpu.memory_space<semaphore_mem>>, %arg13: memref<!tpu.dma_semaphore, #tpu.memory_space<semaphore_mem>>, %arg14: memref<!tpu.dma_semaphore, #tpu.memory_space<semaphore_mem>>, %arg15: memref<!tpu.dma_semaphore, #tpu.memory_space<semaphore_mem>>, %arg16: memref<!tpu.dma_semaphore, #tpu.memory_space<semaphore_mem>>, %arg17: memref<!tpu.dma_semaphore, #tpu.memory_space<semaphore_mem>>, %arg18: memref<!tpu.dma_semaphore, #tpu.memory_space<semaphore_mem>>, %arg19: memref<!tpu.dma_semaphore, #tpu.memory_space<semaphore_mem>>) attributes {dimension_semantics = [#tpu.dimension_semantics<core_parallel>, #tpu.dimension_semantics<subcore_parallel>], iteration_bounds = array<i64: 2, 16>, scalar_prefetch = 0 : i64, scratch_operands = 12 : i64, tpu.core_type = #tpu.core_type<sc_vector_subcore>, window_params = [{transform_indices = #map}, {transform_indices = #map1}, {transform_indices = #map}, {transform_indices = #map2}, {transform_indices = #map2}, {transform_indices = #map3}]} {
    %mul3A = arith.constant 16 : i32
    %mul3A_0 = arith.muli %arg0, %mul3A : i32
    %add3A = arith.addi %mul3A_0, %arg1 : i32
    %run_scoped3A = arith.constant 0 : i32
    "tpu.region"() ({
      %run_scoped3A_61 = tpu.sem_alloc : memref<!tpu.dma_semaphore, #tpu.memory_space<semaphore_mem>>
      %dma_start3A_62 = arith.constant 0 : i32
      %dma_start3A_63 = arith.constant 0 : i32
      %dma_start3A_64 = arith.constant 0 : i32
      %dma_start3A_65 = tpu.memref_slice %arg3[%run_scoped3A, %dma_start3A_62, %dma_start3A_63, %dma_start3A_64] : memref<2x32x200x50xi32, #tpu.memory_space<hbm>> -> memref<1x32x200x50xi32, #tpu.memory_space<hbm>>
      %dma_start3A_66 = tpu.memref_squeeze %dma_start3A_65 : memref<1x32x200x50xi32, #tpu.memory_space<hbm>> -> memref<32x200x50xi32, #tpu.memory_space<hbm>>
      %dma_start3A_67 = arith.constant 0 : i32
      %dma_start3A_68 = arith.constant 0 : i32
      %dma_start3A_69 = tpu.memref_slice %dma_start3A_66[%add3A, %dma_start3A_67, %dma_start3A_68] : memref<32x200x50xi32, #tpu.memory_space<hbm>> -> memref<1x200x50xi32, #tpu.memory_space<hbm>>
      %dma_start3A_70 = tpu.memref_squeeze %dma_start3A_69 : memref<1x200x50xi32, #tpu.memory_space<hbm>> -> memref<200x50xi32, #tpu.memory_space<hbm>>
      %dma_start3A_71 = arith.constant 0 : i32
      %dma_start3A_72 = arith.constant 0 : i32
      %dma_start3A_73 = arith.constant 0 : i32
      %dma_start3A_74 = tpu.memref_slice %arg3[%run_scoped3A, %dma_start3A_71, %dma_start3A_72, %dma_start3A_73] : memref<2x32x200x50xi32, #tpu.memory_space<hbm>> -> memref<1x32x200x50xi32, #tpu.memory_space<hbm>>
      %dma_start3A_75 = tpu.memref_squeeze %dma_start3A_74 : memref<1x32x200x50xi32, #tpu.memory_space<hbm>> -> memref<32x200x50xi32, #tpu.memory_space<hbm>>
      %dma_start3A_76 = arith.constant 0 : i32
      %dma_start3A_77 = arith.constant 0 : i32
      %dma_start3A_78 = tpu.memref_slice %dma_start3A_75[%add3A, %dma_start3A_76, %dma_start3A_77] : memref<32x200x50xi32, #tpu.memory_space<hbm>> -> memref<1x200x50xi32, #tpu.memory_space<hbm>>
      %dma_start3A_79 = tpu.memref_squeeze %dma_start3A_78 : memref<1x200x50xi32, #tpu.memory_space<hbm>> -> memref<200x50xi32, #tpu.memory_space<hbm>>
      tpu.enqueue_dma source(%dma_start3A_79 : memref<200x50xi32, #tpu.memory_space<hbm>>) target(%arg8 : memref<200x50xi32, #tpu.memory_space<vmem>>) target_semaphore(%run_scoped3A_61 : memref<!tpu.dma_semaphore, #tpu.memory_space<semaphore_mem>>)
      %dma_wait3A = arith.constant 0 : i32
      %dma_wait3A_80 = arith.constant 0 : i32
      %dma_wait3A_81 = arith.constant 0 : i32
      %dma_wait3A_82 = tpu.memref_slice %arg3[%run_scoped3A, %dma_wait3A, %dma_wait3A_80, %dma_wait3A_81] : memref<2x32x200x50xi32, #tpu.memory_space<hbm>> -> memref<1x32x200x50xi32, #tpu.memory_space<hbm>>
      %dma_wait3A_83 = tpu.memref_squeeze %dma_wait3A_82 : memref<1x32x200x50xi32, #tpu.memory_space<hbm>> -> memref<32x200x50xi32, #tpu.memory_space<hbm>>
      %dma_wait3A_84 = arith.constant 0 : i32
      %dma_wait3A_85 = arith.constant 0 : i32
      %dma_wait3A_86 = tpu.memref_slice %dma_wait3A_83[%add3A, %dma_wait3A_84, %dma_wait3A_85] : memref<32x200x50xi32, #tpu.memory_space<hbm>> -> memref<1x200x50xi32, #tpu.memory_space<hbm>>
      %dma_wait3A_87 = tpu.memref_squeeze %dma_wait3A_86 : memref<1x200x50xi32, #tpu.memory_space<hbm>> -> memref<200x50xi32, #tpu.memory_space<hbm>>
      %dma_wait3A_88 = arith.constant 0 : i32
      %dma_wait3A_89 = arith.constant 0 : i32
      %dma_wait3A_90 = arith.constant 0 : i32
      %dma_wait3A_91 = tpu.memref_slice %arg3[%run_scoped3A, %dma_wait3A_88, %dma_wait3A_89, %dma_wait3A_90] : memref<2x32x200x50xi32, #tpu.memory_space<hbm>> -> memref<1x32x200x50xi32, #tpu.memory_space<hbm>>
      %dma_wait3A_92 = tpu.memref_squeeze %dma_wait3A_91 : memref<1x32x200x50xi32, #tpu.memory_space<hbm>> -> memref<32x200x50xi32, #tpu.memory_space<hbm>>
      %dma_wait3A_93 = arith.constant 0 : i32
      %dma_wait3A_94 = arith.constant 0 : i32
      %dma_wait3A_95 = tpu.memref_slice %dma_wait3A_92[%add3A, %dma_wait3A_93, %dma_wait3A_94] : memref<32x200x50xi32, #tpu.memory_space<hbm>> -> memref<1x200x50xi32, #tpu.memory_space<hbm>>
      %dma_wait3A_96 = tpu.memref_squeeze %dma_wait3A_95 : memref<1x200x50xi32, #tpu.memory_space<hbm>> -> memref<200x50xi32, #tpu.memory_space<hbm>>
      tpu.wait_dma2 semaphore(%run_scoped3A_61 : memref<!tpu.dma_semaphore, #tpu.memory_space<semaphore_mem>>) src(%dma_wait3A_96 : memref<200x50xi32, #tpu.memory_space<hbm>>) dst(%arg8 : memref<200x50xi32, #tpu.memory_space<vmem>>)
      tpu.yield
    }) : () -> ()
    %run_scoped3A_1 = arith.constant 1 : i32
    "tpu.region"() ({
      %run_scoped3A_61 = tpu.sem_alloc : memref<!tpu.dma_semaphore, #tpu.memory_space<semaphore_mem>>
      %dma_start3A_62 = arith.constant 0 : i32
      %dma_start3A_63 = arith.constant 0 : i32
      %dma_start3A_64 = arith.constant 0 : i32
      %dma_start3A_65 = tpu.memref_slice %arg3[%run_scoped3A_1, %dma_start3A_62, %dma_start3A_63, %dma_start3A_64] : memref<2x32x200x50xi32, #tpu.memory_space<hbm>> -> memref<1x32x200x50xi32, #tpu.memory_space<hbm>>
      %dma_start3A_66 = tpu.memref_squeeze %dma_start3A_65 : memref<1x32x200x50xi32, #tpu.memory_space<hbm>> -> memref<32x200x50xi32, #tpu.memory_space<hbm>>
      %dma_start3A_67 = arith.constant 0 : i32
      %dma_start3A_68 = arith.constant 0 : i32
      %dma_start3A_69 = tpu.memref_slice %dma_start3A_66[%add3A, %dma_start3A_67, %dma_start3A_68] : memref<32x200x50xi32, #tpu.memory_space<hbm>> -> memref<1x200x50xi32, #tpu.memory_space<hbm>>
      %dma_start3A_70 = tpu.memref_squeeze %dma_start3A_69 : memref<1x200x50xi32, #tpu.memory_space<hbm>> -> memref<200x50xi32, #tpu.memory_space<hbm>>
      %dma_start3A_71 = arith.constant 0 : i32
      %dma_start3A_72 = arith.constant 0 : i32
      %dma_start3A_73 = arith.constant 0 : i32
      %dma_start3A_74 = tpu.memref_slice %arg3[%run_scoped3A_1, %dma_start3A_71, %dma_start3A_72, %dma_start3A_73] : memref<2x32x200x50xi32, #tpu.memory_space<hbm>> -> memref<1x32x200x50xi32, #tpu.memory_space<hbm>>
      %dma_start3A_75 = tpu.memref_squeeze %dma_start3A_74 : memref<1x32x200x50xi32, #tpu.memory_space<hbm>> -> memref<32x200x50xi32, #tpu.memory_space<hbm>>
      %dma_start3A_76 = arith.constant 0 : i32
      %dma_start3A_77 = arith.constant 0 : i32
      %dma_start3A_78 = tpu.memref_slice %dma_start3A_75[%add3A, %dma_start3A_76, %dma_start3A_77] : memref<32x200x50xi32, #tpu.memory_space<hbm>> -> memref<1x200x50xi32, #tpu.memory_space<hbm>>
      %dma_start3A_79 = tpu.memref_squeeze %dma_start3A_78 : memref<1x200x50xi32, #tpu.memory_space<hbm>> -> memref<200x50xi32, #tpu.memory_space<hbm>>
      tpu.enqueue_dma source(%dma_start3A_79 : memref<200x50xi32, #tpu.memory_space<hbm>>) target(%arg9 : memref<200x50xi32, #tpu.memory_space<vmem>>) target_semaphore(%run_scoped3A_61 : memref<!tpu.dma_semaphore, #tpu.memory_space<semaphore_mem>>)
      %dma_wait3A = arith.constant 0 : i32
      %dma_wait3A_80 = arith.constant 0 : i32
      %dma_wait3A_81 = arith.constant 0 : i32
      %dma_wait3A_82 = tpu.memref_slice %arg3[%run_scoped3A_1, %dma_wait3A, %dma_wait3A_80, %dma_wait3A_81] : memref<2x32x200x50xi32, #tpu.memory_space<hbm>> -> memref<1x32x200x50xi32, #tpu.memory_space<hbm>>
      %dma_wait3A_83 = tpu.memref_squeeze %dma_wait3A_82 : memref<1x32x200x50xi32, #tpu.memory_space<hbm>> -> memref<32x200x50xi32, #tpu.memory_space<hbm>>
      %dma_wait3A_84 = arith.constant 0 : i32
      %dma_wait3A_85 = arith.constant 0 : i32
      %dma_wait3A_86 = tpu.memref_slice %dma_wait3A_83[%add3A, %dma_wait3A_84, %dma_wait3A_85] : memref<32x200x50xi32, #tpu.memory_space<hbm>> -> memref<1x200x50xi32, #tpu.memory_space<hbm>>
      %dma_wait3A_87 = tpu.memref_squeeze %dma_wait3A_86 : memref<1x200x50xi32, #tpu.memory_space<hbm>> -> memref<200x50xi32, #tpu.memory_space<hbm>>
      %dma_wait3A_88 = arith.constant 0 : i32
      %dma_wait3A_89 = arith.constant 0 : i32
      %dma_wait3A_90 = arith.constant 0 : i32
      %dma_wait3A_91 = tpu.memref_slice %arg3[%run_scoped3A_1, %dma_wait3A_88, %dma_wait3A_89, %dma_wait3A_90] : memref<2x32x200x50xi32, #tpu.memory_space<hbm>> -> memref<1x32x200x50xi32, #tpu.memory_space<hbm>>
      %dma_wait3A_92 = tpu.memref_squeeze %dma_wait3A_91 : memref<1x32x200x50xi32, #tpu.memory_space<hbm>> -> memref<32x200x50xi32, #tpu.memory_space<hbm>>
      %dma_wait3A_93 = arith.constant 0 : i32
      %dma_wait3A_94 = arith.constant 0 : i32
      %dma_wait3A_95 = tpu.memref_slice %dma_wait3A_92[%add3A, %dma_wait3A_93, %dma_wait3A_94] : memref<32x200x50xi32, #tpu.memory_space<hbm>> -> memref<1x200x50xi32, #tpu.memory_space<hbm>>
      %dma_wait3A_96 = tpu.memref_squeeze %dma_wait3A_95 : memref<1x200x50xi32, #tpu.memory_space<hbm>> -> memref<200x50xi32, #tpu.memory_space<hbm>>
      tpu.wait_dma2 semaphore(%run_scoped3A_61 : memref<!tpu.dma_semaphore, #tpu.memory_space<semaphore_mem>>) src(%dma_wait3A_96 : memref<200x50xi32, #tpu.memory_space<hbm>>) dst(%arg9 : memref<200x50xi32, #tpu.memory_space<vmem>>)
      tpu.yield
    }) : () -> ()
    %mul3A_2 = arith.constant 632 : i32
    %mul3A_3 = arith.muli %arg1, %mul3A_2 : i32
    "tpu.region"() ({
      %run_scoped3A_61 = tpu.sem_alloc : memref<!tpu.dma_semaphore, #tpu.memory_space<semaphore_mem>>
      %dma_start3A_62 = arith.constant 0 : i32
      %dma_start3A_63 = tpu.memref_slice %arg11[%mul3A_3, %dma_start3A_62] : memref<10112x16xf32, #tpu.memory_space<vmem_shared>> -> memref<632x16xf32, #tpu.memory_space<vmem_shared>>
      tpu.enqueue_dma source(%arg4 : memref<632x16xf32, #tpu.memory_space<hbm>>) target(%dma_start3A_63 : memref<632x16xf32, #tpu.memory_space<vmem_shared>>) target_semaphore(%run_scoped3A_61 : memref<!tpu.dma_semaphore, #tpu.memory_space<semaphore_mem>>)
      %dma_wait3A = arith.constant 0 : i32
      %dma_wait3A_64 = tpu.memref_slice %arg11[%mul3A_3, %dma_wait3A] : memref<10112x16xf32, #tpu.memory_space<vmem_shared>> -> memref<632x16xf32, #tpu.memory_space<vmem_shared>>
      tpu.wait_dma2 semaphore(%run_scoped3A_61 : memref<!tpu.dma_semaphore, #tpu.memory_space<semaphore_mem>>) src(%arg4 : memref<632x16xf32, #tpu.memory_space<hbm>>) dst(%dma_wait3A_64 : memref<632x16xf32, #tpu.memory_space<vmem_shared>>)
      tpu.yield
    }) : () -> ()
    %barrier3A = arith.constant 0 : index
    tpu.barrier barrier_id(%barrier3A)
    %dma_start3A = arith.constant 0 : i32
    %dma_start3A_4 = arith.constant 0 : i32
    %dma_start3A_5 = arith.constant 0 : i32
    %dma_start3A_6 = arith.constant 0 : i32
    %dma_start3A_7 = tpu.memref_slice %arg10[%dma_start3A_4, %dma_start3A_5, %dma_start3A_6] : memref<4x50x16xf32, #tpu.memory_space<vmem>> -> memref<1x50x16xf32, #tpu.memory_space<vmem>>
    %dma_start3A_8 = tpu.memref_squeeze %dma_start3A_7 : memref<1x50x16xf32, #tpu.memory_space<vmem>> -> memref<50x16xf32, #tpu.memory_space<vmem>>
    %dma_start3A_9 = arith.constant 0 : i32
    %dma_start3A_10 = tpu.memref_slice %arg8[%dma_start3A, %dma_start3A_9] : memref<200x50xi32, #tpu.memory_space<vmem>> -> memref<1x50xi32, #tpu.memory_space<vmem>>
    %dma_start3A_11 = tpu.memref_squeeze %dma_start3A_10 : memref<1x50xi32, #tpu.memory_space<vmem>> -> memref<50xi32, #tpu.memory_space<vmem>>
    %dma_start3A_12 = arith.constant 0 : i32
    %dma_start3A_13 = arith.constant 0 : i32
    %dma_start3A_14 = tpu.memref_slice %arg2[%dma_start3A_12, %dma_start3A_13] : memref<10000x16xf32, #tpu.memory_space<hbm>> -> memref<10000x16xf32, #tpu.memory_space<hbm>>
    tpu.enqueue_indirect_dma source(%dma_start3A_14 : memref<10000x16xf32, #tpu.memory_space<hbm>>) target(%dma_start3A_8 : memref<50x16xf32, #tpu.memory_space<vmem>>) offsets(%dma_start3A_11 : memref<50xi32, #tpu.memory_space<vmem>>) semaphore(%arg12 : memref<!tpu.dma_semaphore, #tpu.memory_space<semaphore_mem>>)
    %dma_start3A_15 = arith.constant 1 : i32
    %dma_start3A_16 = arith.constant 1 : i32
    %dma_start3A_17 = arith.constant 0 : i32
    %dma_start3A_18 = arith.constant 0 : i32
    %dma_start3A_19 = tpu.memref_slice %arg10[%dma_start3A_16, %dma_start3A_17, %dma_start3A_18] : memref<4x50x16xf32, #tpu.memory_space<vmem>> -> memref<1x50x16xf32, #tpu.memory_space<vmem>>
    %dma_start3A_20 = tpu.memref_squeeze %dma_start3A_19 : memref<1x50x16xf32, #tpu.memory_space<vmem>> -> memref<50x16xf32, #tpu.memory_space<vmem>>
    %dma_start3A_21 = arith.constant 0 : i32
    %dma_start3A_22 = tpu.memref_slice %arg8[%dma_start3A_15, %dma_start3A_21] : memref<200x50xi32, #tpu.memory_space<vmem>> -> memref<1x50xi32, #tpu.memory_space<vmem>>
    %dma_start3A_23 = tpu.memref_squeeze %dma_start3A_22 : memref<1x50xi32, #tpu.memory_space<vmem>> -> memref<50xi32, #tpu.memory_space<vmem>>
    %dma_start3A_24 = arith.constant 0 : i32
    %dma_start3A_25 = arith.constant 0 : i32
    %dma_start3A_26 = tpu.memref_slice %arg2[%dma_start3A_24, %dma_start3A_25] : memref<10000x16xf32, #tpu.memory_space<hbm>> -> memref<10000x16xf32, #tpu.memory_space<hbm>>
    tpu.enqueue_indirect_dma source(%dma_start3A_26 : memref<10000x16xf32, #tpu.memory_space<hbm>>) target(%dma_start3A_20 : memref<50x16xf32, #tpu.memory_space<vmem>>) offsets(%dma_start3A_23 : memref<50xi32, #tpu.memory_space<vmem>>) semaphore(%arg13 : memref<!tpu.dma_semaphore, #tpu.memory_space<semaphore_mem>>)
    %dma_start3A_27 = arith.constant 2 : i32
    %dma_start3A_28 = arith.constant 2 : i32
    %dma_start3A_29 = arith.constant 0 : i32
    %dma_start3A_30 = arith.constant 0 : i32
    %dma_start3A_31 = tpu.memref_slice %arg10[%dma_start3A_28, %dma_start3A_29, %dma_start3A_30] : memref<4x50x16xf32, #tpu.memory_space<vmem>> -> memref<1x50x16xf32, #tpu.memory_space<vmem>>
    %dma_start3A_32 = tpu.memref_squeeze %dma_start3A_31 : memref<1x50x16xf32, #tpu.memory_space<vmem>> -> memref<50x16xf32, #tpu.memory_space<vmem>>
    %dma_start3A_33 = arith.constant 0 : i32
    %dma_start3A_34 = tpu.memref_slice %arg8[%dma_start3A_27, %dma_start3A_33] : memref<200x50xi32, #tpu.memory_space<vmem>> -> memref<1x50xi32, #tpu.memory_space<vmem>>
    %dma_start3A_35 = tpu.memref_squeeze %dma_start3A_34 : memref<1x50xi32, #tpu.memory_space<vmem>> -> memref<50xi32, #tpu.memory_space<vmem>>
    %dma_start3A_36 = arith.constant 0 : i32
    %dma_start3A_37 = arith.constant 0 : i32
    %dma_start3A_38 = tpu.memref_slice %arg2[%dma_start3A_36, %dma_start3A_37] : memref<10000x16xf32, #tpu.memory_space<hbm>> -> memref<10000x16xf32, #tpu.memory_space<hbm>>
    tpu.enqueue_indirect_dma source(%dma_start3A_38 : memref<10000x16xf32, #tpu.memory_space<hbm>>) target(%dma_start3A_32 : memref<50x16xf32, #tpu.memory_space<vmem>>) offsets(%dma_start3A_35 : memref<50xi32, #tpu.memory_space<vmem>>) semaphore(%arg14 : memref<!tpu.dma_semaphore, #tpu.memory_space<semaphore_mem>>)
    %dma_start3A_39 = arith.constant 3 : i32
    %dma_start3A_40 = arith.constant 3 : i32
    %dma_start3A_41 = arith.constant 0 : i32
    %dma_start3A_42 = arith.constant 0 : i32
    %dma_start3A_43 = tpu.memref_slice %arg10[%dma_start3A_40, %dma_start3A_41, %dma_start3A_42] : memref<4x50x16xf32, #tpu.memory_space<vmem>> -> memref<1x50x16xf32, #tpu.memory_space<vmem>>
    %dma_start3A_44 = tpu.memref_squeeze %dma_start3A_43 : memref<1x50x16xf32, #tpu.memory_space<vmem>> -> memref<50x16xf32, #tpu.memory_space<vmem>>
    %dma_start3A_45 = arith.constant 0 : i32
    %dma_start3A_46 = tpu.memref_slice %arg8[%dma_start3A_39, %dma_start3A_45] : memref<200x50xi32, #tpu.memory_space<vmem>> -> memref<1x50xi32, #tpu.memory_space<vmem>>
    %dma_start3A_47 = tpu.memref_squeeze %dma_start3A_46 : memref<1x50xi32, #tpu.memory_space<vmem>> -> memref<50xi32, #tpu.memory_space<vmem>>
    %dma_start3A_48 = arith.constant 0 : i32
    %dma_start3A_49 = arith.constant 0 : i32
    %dma_start3A_50 = tpu.memref_slice %arg2[%dma_start3A_48, %dma_start3A_49] : memref<10000x16xf32, #tpu.memory_space<hbm>> -> memref<10000x16xf32, #tpu.memory_space<hbm>>
    tpu.enqueue_indirect_dma source(%dma_start3A_50 : memref<10000x16xf32, #tpu.memory_space<hbm>>) target(%dma_start3A_44 : memref<50x16xf32, #tpu.memory_space<vmem>>) offsets(%dma_start3A_47 : memref<50xi32, #tpu.memory_space<vmem>>) semaphore(%arg15 : memref<!tpu.dma_semaphore, #tpu.memory_space<semaphore_mem>>)
    %scan3A = arith.constant 0 : i32
    %scan3A_51 = arith.constant 0 : i32
    %scan3A_52 = arith.constant 50 : i32
    %scan3A_53 = arith.addi %scan3A_51, %scan3A_52 : i32
    %scan3A_54 = arith.constant 1 : i32
    scf.for %scan3A_61 = %scan3A_51 to %scan3A_53 step %scan3A_54  : i32 {
      %mul3A_62 = arith.constant 4 : i32
      %mul3A_63 = arith.muli %scan3A_61, %mul3A_62 : i32
      %add3A_64 = arith.constant 0 : i32
      %add3A_65 = arith.addi %mul3A_63, %add3A_64 : i32
      %dma_wait3A = arith.constant 0 : i32
      %dma_wait3A_66 = arith.constant 0 : i32
      %dma_wait3A_67 = arith.constant 0 : i32
      %dma_wait3A_68 = tpu.memref_slice %arg10[%dma_wait3A, %dma_wait3A_66, %dma_wait3A_67] : memref<4x50x16xf32, #tpu.memory_space<vmem>> -> memref<1x50x16xf32, #tpu.memory_space<vmem>>
      %dma_wait3A_69 = tpu.memref_squeeze %dma_wait3A_68 : memref<1x50x16xf32, #tpu.memory_space<vmem>> -> memref<50x16xf32, #tpu.memory_space<vmem>>
      %dma_wait3A_70 = arith.constant 0 : i32
      %dma_wait3A_71 = tpu.memref_slice %arg8[%add3A_65, %dma_wait3A_70] : memref<200x50xi32, #tpu.memory_space<vmem>> -> memref<1x50xi32, #tpu.memory_space<vmem>>
      %dma_wait3A_72 = tpu.memref_squeeze %dma_wait3A_71 : memref<1x50xi32, #tpu.memory_space<vmem>> -> memref<50xi32, #tpu.memory_space<vmem>>
      %dma_wait3A_73 = arith.constant 0 : i32
      %dma_wait3A_74 = arith.constant 0 : i32
      %dma_wait3A_75 = tpu.memref_slice %arg2[%dma_wait3A_73, %dma_wait3A_74] : memref<10000x16xf32, #tpu.memory_space<hbm>> -> memref<10000x16xf32, #tpu.memory_space<hbm>>
      tpu.wait_indirect_dma semaphore(%arg12 : memref<!tpu.dma_semaphore, #tpu.memory_space<semaphore_mem>>) src(%dma_wait3A_75 : memref<10000x16xf32, #tpu.memory_space<hbm>>) dst(%dma_wait3A_69 : memref<50x16xf32, #tpu.memory_space<vmem>>)
      %dma_start3A_76 = arith.constant 0 : i32
      %dma_start3A_77 = arith.constant 0 : i32
      %dma_start3A_78 = arith.constant 0 : i32
      %dma_start3A_79 = tpu.memref_slice %arg10[%dma_start3A_76, %dma_start3A_77, %dma_start3A_78] : memref<4x50x16xf32, #tpu.memory_space<vmem>> -> memref<1x50x16xf32, #tpu.memory_space<vmem>>
      %dma_start3A_80 = tpu.memref_squeeze %dma_start3A_79 : memref<1x50x16xf32, #tpu.memory_space<vmem>> -> memref<50x16xf32, #tpu.memory_space<vmem>>
      %dma_start3A_81 = arith.constant 0 : i32
      %dma_start3A_82 = tpu.memref_slice %arg9[%add3A_65, %dma_start3A_81] : memref<200x50xi32, #tpu.memory_space<vmem>> -> memref<1x50xi32, #tpu.memory_space<vmem>>
      %dma_start3A_83 = tpu.memref_squeeze %dma_start3A_82 : memref<1x50xi32, #tpu.memory_space<vmem>> -> memref<50xi32, #tpu.memory_space<vmem>>
      %dma_start3A_84 = arith.constant 0 : i32
      %dma_start3A_85 = arith.constant 0 : i32
      %dma_start3A_86 = tpu.memref_slice %arg11[%dma_start3A_84, %dma_start3A_85] : memref<10112x16xf32, #tpu.memory_space<vmem_shared>> -> memref<10112x16xf32, #tpu.memory_space<vmem_shared>>
      tpu.enqueue_indirect_dma source(%dma_start3A_80 : memref<50x16xf32, #tpu.memory_space<vmem>>) target(%dma_start3A_86 : memref<10112x16xf32, #tpu.memory_space<vmem_shared>>) offsets(%dma_start3A_83 : memref<50xi32, #tpu.memory_space<vmem>>) semaphore(%arg16 : memref<!tpu.dma_semaphore, #tpu.memory_space<semaphore_mem>>) {add = true}
      %dma_wait3A_87 = arith.constant 0 : i32
      %dma_wait3A_88 = arith.constant 0 : i32
      %dma_wait3A_89 = arith.constant 0 : i32
      %dma_wait3A_90 = tpu.memref_slice %arg10[%dma_wait3A_87, %dma_wait3A_88, %dma_wait3A_89] : memref<4x50x16xf32, #tpu.memory_space<vmem>> -> memref<1x50x16xf32, #tpu.memory_space<vmem>>
      %dma_wait3A_91 = tpu.memref_squeeze %dma_wait3A_90 : memref<1x50x16xf32, #tpu.memory_space<vmem>> -> memref<50x16xf32, #tpu.memory_space<vmem>>
      %dma_wait3A_92 = arith.constant 0 : i32
      %dma_wait3A_93 = tpu.memref_slice %arg9[%add3A_65, %dma_wait3A_92] : memref<200x50xi32, #tpu.memory_space<vmem>> -> memref<1x50xi32, #tpu.memory_space<vmem>>
      %dma_wait3A_94 = tpu.memref_squeeze %dma_wait3A_93 : memref<1x50xi32, #tpu.memory_space<vmem>> -> memref<50xi32, #tpu.memory_space<vmem>>
      %dma_wait3A_95 = arith.constant 0 : i32
      %dma_wait3A_96 = arith.constant 0 : i32
      %dma_wait3A_97 = tpu.memref_slice %arg11[%dma_wait3A_95, %dma_wait3A_96] : memref<10112x16xf32, #tpu.memory_space<vmem_shared>> -> memref<10112x16xf32, #tpu.memory_space<vmem_shared>>
      tpu.wait_indirect_dma semaphore(%arg16 : memref<!tpu.dma_semaphore, #tpu.memory_space<semaphore_mem>>) src(%dma_wait3A_91 : memref<50x16xf32, #tpu.memory_space<vmem>>) dst(%dma_wait3A_97 : memref<10112x16xf32, #tpu.memory_space<vmem_shared>>)
      %lt3A = arith.constant 49 : i32
      %lt3A_98 = arith.cmpi slt, %scan3A_61, %lt3A : i32
      %convert_element_type3A = arith.extui %lt3A_98 : i1 to i32
      %cond3A = arith.constant 0 : i32
      %cond3A_99 = arith.cmpi ne, %convert_element_type3A, %cond3A : i32
      scf.if %cond3A_99 {
        %add3A_226 = arith.constant 4 : i32
        %add3A_227 = arith.addi %add3A_65, %add3A_226 : i32
        %dma_start3A_228 = arith.constant 0 : i32
        %dma_start3A_229 = arith.constant 0 : i32
        %dma_start3A_230 = arith.constant 0 : i32
        %dma_start3A_231 = tpu.memref_slice %arg10[%dma_start3A_228, %dma_start3A_229, %dma_start3A_230] : memref<4x50x16xf32, #tpu.memory_space<vmem>> -> memref<1x50x16xf32, #tpu.memory_space<vmem>>
        %dma_start3A_232 = tpu.memref_squeeze %dma_start3A_231 : memref<1x50x16xf32, #tpu.memory_space<vmem>> -> memref<50x16xf32, #tpu.memory_space<vmem>>
        %dma_start3A_233 = arith.constant 0 : i32
        %dma_start3A_234 = tpu.memref_slice %arg8[%add3A_227, %dma_start3A_233] : memref<200x50xi32, #tpu.memory_space<vmem>> -> memref<1x50xi32, #tpu.memory_space<vmem>>
        %dma_start3A_235 = tpu.memref_squeeze %dma_start3A_234 : memref<1x50xi32, #tpu.memory_space<vmem>> -> memref<50xi32, #tpu.memory_space<vmem>>
        %dma_start3A_236 = arith.constant 0 : i32
        %dma_start3A_237 = arith.constant 0 : i32
        %dma_start3A_238 = tpu.memref_slice %arg2[%dma_start3A_236, %dma_start3A_237] : memref<10000x16xf32, #tpu.memory_space<hbm>> -> memref<10000x16xf32, #tpu.memory_space<hbm>>
        tpu.enqueue_indirect_dma source(%dma_start3A_238 : memref<10000x16xf32, #tpu.memory_space<hbm>>) target(%dma_start3A_232 : memref<50x16xf32, #tpu.memory_space<vmem>>) offsets(%dma_start3A_235 : memref<50xi32, #tpu.memory_space<vmem>>) semaphore(%arg12 : memref<!tpu.dma_semaphore, #tpu.memory_space<semaphore_mem>>)
      } else {
      }
      %mul3A_100 = arith.constant 4 : i32
      %mul3A_101 = arith.muli %scan3A_61, %mul3A_100 : i32
      %add3A_102 = arith.constant 1 : i32
      %add3A_103 = arith.addi %mul3A_101, %add3A_102 : i32
      %dma_wait3A_104 = arith.constant 1 : i32
      %dma_wait3A_105 = arith.constant 0 : i32
      %dma_wait3A_106 = arith.constant 0 : i32
      %dma_wait3A_107 = tpu.memref_slice %arg10[%dma_wait3A_104, %dma_wait3A_105, %dma_wait3A_106] : memref<4x50x16xf32, #tpu.memory_space<vmem>> -> memref<1x50x16xf32, #tpu.memory_space<vmem>>
      %dma_wait3A_108 = tpu.memref_squeeze %dma_wait3A_107 : memref<1x50x16xf32, #tpu.memory_space<vmem>> -> memref<50x16xf32, #tpu.memory_space<vmem>>
      %dma_wait3A_109 = arith.constant 0 : i32
      %dma_wait3A_110 = tpu.memref_slice %arg8[%add3A_103, %dma_wait3A_109] : memref<200x50xi32, #tpu.memory_space<vmem>> -> memref<1x50xi32, #tpu.memory_space<vmem>>
      %dma_wait3A_111 = tpu.memref_squeeze %dma_wait3A_110 : memref<1x50xi32, #tpu.memory_space<vmem>> -> memref<50xi32, #tpu.memory_space<vmem>>
      %dma_wait3A_112 = arith.constant 0 : i32
      %dma_wait3A_113 = arith.constant 0 : i32
      %dma_wait3A_114 = tpu.memref_slice %arg2[%dma_wait3A_112, %dma_wait3A_113] : memref<10000x16xf32, #tpu.memory_space<hbm>> -> memref<10000x16xf32, #tpu.memory_space<hbm>>
      tpu.wait_indirect_dma semaphore(%arg13 : memref<!tpu.dma_semaphore, #tpu.memory_space<semaphore_mem>>) src(%dma_wait3A_114 : memref<10000x16xf32, #tpu.memory_space<hbm>>) dst(%dma_wait3A_108 : memref<50x16xf32, #tpu.memory_space<vmem>>)
      %dma_start3A_115 = arith.constant 1 : i32
      %dma_start3A_116 = arith.constant 0 : i32
      %dma_start3A_117 = arith.constant 0 : i32
      %dma_start3A_118 = tpu.memref_slice %arg10[%dma_start3A_115, %dma_start3A_116, %dma_start3A_117] : memref<4x50x16xf32, #tpu.memory_space<vmem>> -> memref<1x50x16xf32, #tpu.memory_space<vmem>>
      %dma_start3A_119 = tpu.memref_squeeze %dma_start3A_118 : memref<1x50x16xf32, #tpu.memory_space<vmem>> -> memref<50x16xf32, #tpu.memory_space<vmem>>
      %dma_start3A_120 = arith.constant 0 : i32
      %dma_start3A_121 = tpu.memref_slice %arg9[%add3A_103, %dma_start3A_120] : memref<200x50xi32, #tpu.memory_space<vmem>> -> memref<1x50xi32, #tpu.memory_space<vmem>>
      %dma_start3A_122 = tpu.memref_squeeze %dma_start3A_121 : memref<1x50xi32, #tpu.memory_space<vmem>> -> memref<50xi32, #tpu.memory_space<vmem>>
      %dma_start3A_123 = arith.constant 0 : i32
      %dma_start3A_124 = arith.constant 0 : i32
      %dma_start3A_125 = tpu.memref_slice %arg11[%dma_start3A_123, %dma_start3A_124] : memref<10112x16xf32, #tpu.memory_space<vmem_shared>> -> memref<10112x16xf32, #tpu.memory_space<vmem_shared>>
      tpu.enqueue_indirect_dma source(%dma_start3A_119 : memref<50x16xf32, #tpu.memory_space<vmem>>) target(%dma_start3A_125 : memref<10112x16xf32, #tpu.memory_space<vmem_shared>>) offsets(%dma_start3A_122 : memref<50xi32, #tpu.memory_space<vmem>>) semaphore(%arg17 : memref<!tpu.dma_semaphore, #tpu.memory_space<semaphore_mem>>) {add = true}
      %dma_wait3A_126 = arith.constant 1 : i32
      %dma_wait3A_127 = arith.constant 0 : i32
      %dma_wait3A_128 = arith.constant 0 : i32
      %dma_wait3A_129 = tpu.memref_slice %arg10[%dma_wait3A_126, %dma_wait3A_127, %dma_wait3A_128] : memref<4x50x16xf32, #tpu.memory_space<vmem>> -> memref<1x50x16xf32, #tpu.memory_space<vmem>>
      %dma_wait3A_130 = tpu.memref_squeeze %dma_wait3A_129 : memref<1x50x16xf32, #tpu.memory_space<vmem>> -> memref<50x16xf32, #tpu.memory_space<vmem>>
      %dma_wait3A_131 = arith.constant 0 : i32
      %dma_wait3A_132 = tpu.memref_slice %arg9[%add3A_103, %dma_wait3A_131] : memref<200x50xi32, #tpu.memory_space<vmem>> -> memref<1x50xi32, #tpu.memory_space<vmem>>
      %dma_wait3A_133 = tpu.memref_squeeze %dma_wait3A_132 : memref<1x50xi32, #tpu.memory_space<vmem>> -> memref<50xi32, #tpu.memory_space<vmem>>
      %dma_wait3A_134 = arith.constant 0 : i32
      %dma_wait3A_135 = arith.constant 0 : i32
      %dma_wait3A_136 = tpu.memref_slice %arg11[%dma_wait3A_134, %dma_wait3A_135] : memref<10112x16xf32, #tpu.memory_space<vmem_shared>> -> memref<10112x16xf32, #tpu.memory_space<vmem_shared>>
      tpu.wait_indirect_dma semaphore(%arg17 : memref<!tpu.dma_semaphore, #tpu.memory_space<semaphore_mem>>) src(%dma_wait3A_130 : memref<50x16xf32, #tpu.memory_space<vmem>>) dst(%dma_wait3A_136 : memref<10112x16xf32, #tpu.memory_space<vmem_shared>>)
      %lt3A_137 = arith.constant 49 : i32
      %lt3A_138 = arith.cmpi slt, %scan3A_61, %lt3A_137 : i32
      %convert_element_type3A_139 = arith.extui %lt3A_138 : i1 to i32
      %cond3A_140 = arith.constant 0 : i32
      %cond3A_141 = arith.cmpi ne, %convert_element_type3A_139, %cond3A_140 : i32
      scf.if %cond3A_141 {
        %add3A_226 = arith.constant 4 : i32
        %add3A_227 = arith.addi %add3A_103, %add3A_226 : i32
        %dma_start3A_228 = arith.constant 1 : i32
        %dma_start3A_229 = arith.constant 0 : i32
        %dma_start3A_230 = arith.constant 0 : i32
        %dma_start3A_231 = tpu.memref_slice %arg10[%dma_start3A_228, %dma_start3A_229, %dma_start3A_230] : memref<4x50x16xf32, #tpu.memory_space<vmem>> -> memref<1x50x16xf32, #tpu.memory_space<vmem>>
        %dma_start3A_232 = tpu.memref_squeeze %dma_start3A_231 : memref<1x50x16xf32, #tpu.memory_space<vmem>> -> memref<50x16xf32, #tpu.memory_space<vmem>>
        %dma_start3A_233 = arith.constant 0 : i32
        %dma_start3A_234 = tpu.memref_slice %arg8[%add3A_227, %dma_start3A_233] : memref<200x50xi32, #tpu.memory_space<vmem>> -> memref<1x50xi32, #tpu.memory_space<vmem>>
        %dma_start3A_235 = tpu.memref_squeeze %dma_start3A_234 : memref<1x50xi32, #tpu.memory_space<vmem>> -> memref<50xi32, #tpu.memory_space<vmem>>
        %dma_start3A_236 = arith.constant 0 : i32
        %dma_start3A_237 = arith.constant 0 : i32
        %dma_start3A_238 = tpu.memref_slice %arg2[%dma_start3A_236, %dma_start3A_237] : memref<10000x16xf32, #tpu.memory_space<hbm>> -> memref<10000x16xf32, #tpu.memory_space<hbm>>
        tpu.enqueue_indirect_dma source(%dma_start3A_238 : memref<10000x16xf32, #tpu.memory_space<hbm>>) target(%dma_start3A_232 : memref<50x16xf32, #tpu.memory_space<vmem>>) offsets(%dma_start3A_235 : memref<50xi32, #tpu.memory_space<vmem>>) semaphore(%arg13 : memref<!tpu.dma_semaphore, #tpu.memory_space<semaphore_mem>>)
      } else {
      }
      %mul3A_142 = arith.constant 4 : i32
      %mul3A_143 = arith.muli %scan3A_61, %mul3A_142 : i32
      %add3A_144 = arith.constant 2 : i32
      %add3A_145 = arith.addi %mul3A_143, %add3A_144 : i32
      %dma_wait3A_146 = arith.constant 2 : i32
      %dma_wait3A_147 = arith.constant 0 : i32
      %dma_wait3A_148 = arith.constant 0 : i32
      %dma_wait3A_149 = tpu.memref_slice %arg10[%dma_wait3A_146, %dma_wait3A_147, %dma_wait3A_148] : memref<4x50x16xf32, #tpu.memory_space<vmem>> -> memref<1x50x16xf32, #tpu.memory_space<vmem>>
      %dma_wait3A_150 = tpu.memref_squeeze %dma_wait3A_149 : memref<1x50x16xf32, #tpu.memory_space<vmem>> -> memref<50x16xf32, #tpu.memory_space<vmem>>
      %dma_wait3A_151 = arith.constant 0 : i32
      %dma_wait3A_152 = tpu.memref_slice %arg8[%add3A_145, %dma_wait3A_151] : memref<200x50xi32, #tpu.memory_space<vmem>> -> memref<1x50xi32, #tpu.memory_space<vmem>>
      %dma_wait3A_153 = tpu.memref_squeeze %dma_wait3A_152 : memref<1x50xi32, #tpu.memory_space<vmem>> -> memref<50xi32, #tpu.memory_space<vmem>>
      %dma_wait3A_154 = arith.constant 0 : i32
      %dma_wait3A_155 = arith.constant 0 : i32
      %dma_wait3A_156 = tpu.memref_slice %arg2[%dma_wait3A_154, %dma_wait3A_155] : memref<10000x16xf32, #tpu.memory_space<hbm>> -> memref<10000x16xf32, #tpu.memory_space<hbm>>
      tpu.wait_indirect_dma semaphore(%arg14 : memref<!tpu.dma_semaphore, #tpu.memory_space<semaphore_mem>>) src(%dma_wait3A_156 : memref<10000x16xf32, #tpu.memory_space<hbm>>) dst(%dma_wait3A_150 : memref<50x16xf32, #tpu.memory_space<vmem>>)
      %dma_start3A_157 = arith.constant 2 : i32
      %dma_start3A_158 = arith.constant 0 : i32
      %dma_start3A_159 = arith.constant 0 : i32
      %dma_start3A_160 = tpu.memref_slice %arg10[%dma_start3A_157, %dma_start3A_158, %dma_start3A_159] : memref<4x50x16xf32, #tpu.memory_space<vmem>> -> memref<1x50x16xf32, #tpu.memory_space<vmem>>
      %dma_start3A_161 = tpu.memref_squeeze %dma_start3A_160 : memref<1x50x16xf32, #tpu.memory_space<vmem>> -> memref<50x16xf32, #tpu.memory_space<vmem>>
      %dma_start3A_162 = arith.constant 0 : i32
      %dma_start3A_163 = tpu.memref_slice %arg9[%add3A_145, %dma_start3A_162] : memref<200x50xi32, #tpu.memory_space<vmem>> -> memref<1x50xi32, #tpu.memory_space<vmem>>
      %dma_start3A_164 = tpu.memref_squeeze %dma_start3A_163 : memref<1x50xi32, #tpu.memory_space<vmem>> -> memref<50xi32, #tpu.memory_space<vmem>>
      %dma_start3A_165 = arith.constant 0 : i32
      %dma_start3A_166 = arith.constant 0 : i32
      %dma_start3A_167 = tpu.memref_slice %arg11[%dma_start3A_165, %dma_start3A_166] : memref<10112x16xf32, #tpu.memory_space<vmem_shared>> -> memref<10112x16xf32, #tpu.memory_space<vmem_shared>>
      tpu.enqueue_indirect_dma source(%dma_start3A_161 : memref<50x16xf32, #tpu.memory_space<vmem>>) target(%dma_start3A_167 : memref<10112x16xf32, #tpu.memory_space<vmem_shared>>) offsets(%dma_start3A_164 : memref<50xi32, #tpu.memory_space<vmem>>) semaphore(%arg18 : memref<!tpu.dma_semaphore, #tpu.memory_space<semaphore_mem>>) {add = true}
      %dma_wait3A_168 = arith.constant 2 : i32
      %dma_wait3A_169 = arith.constant 0 : i32
      %dma_wait3A_170 = arith.constant 0 : i32
      %dma_wait3A_171 = tpu.memref_slice %arg10[%dma_wait3A_168, %dma_wait3A_169, %dma_wait3A_170] : memref<4x50x16xf32, #tpu.memory_space<vmem>> -> memref<1x50x16xf32, #tpu.memory_space<vmem>>
      %dma_wait3A_172 = tpu.memref_squeeze %dma_wait3A_171 : memref<1x50x16xf32, #tpu.memory_space<vmem>> -> memref<50x16xf32, #tpu.memory_space<vmem>>
      %dma_wait3A_173 = arith.constant 0 : i32
      %dma_wait3A_174 = tpu.memref_slice %arg9[%add3A_145, %dma_wait3A_173] : memref<200x50xi32, #tpu.memory_space<vmem>> -> memref<1x50xi32, #tpu.memory_space<vmem>>
      %dma_wait3A_175 = tpu.memref_squeeze %dma_wait3A_174 : memref<1x50xi32, #tpu.memory_space<vmem>> -> memref<50xi32, #tpu.memory_space<vmem>>
      %dma_wait3A_176 = arith.constant 0 : i32
      %dma_wait3A_177 = arith.constant 0 : i32
      %dma_wait3A_178 = tpu.memref_slice %arg11[%dma_wait3A_176, %dma_wait3A_177] : memref<10112x16xf32, #tpu.memory_space<vmem_shared>> -> memref<10112x16xf32, #tpu.memory_space<vmem_shared>>
      tpu.wait_indirect_dma semaphore(%arg18 : memref<!tpu.dma_semaphore, #tpu.memory_space<semaphore_mem>>) src(%dma_wait3A_172 : memref<50x16xf32, #tpu.memory_space<vmem>>) dst(%dma_wait3A_178 : memref<10112x16xf32, #tpu.memory_space<vmem_shared>>)
      %lt3A_179 = arith.constant 49 : i32
      %lt3A_180 = arith.cmpi slt, %scan3A_61, %lt3A_179 : i32
      %convert_element_type3A_181 = arith.extui %lt3A_180 : i1 to i32
      %cond3A_182 = arith.constant 0 : i32
      %cond3A_183 = arith.cmpi ne, %convert_element_type3A_181, %cond3A_182 : i32
      scf.if %cond3A_183 {
        %add3A_226 = arith.constant 4 : i32
        %add3A_227 = arith.addi %add3A_145, %add3A_226 : i32
        %dma_start3A_228 = arith.constant 2 : i32
        %dma_start3A_229 = arith.constant 0 : i32
        %dma_start3A_230 = arith.constant 0 : i32
        %dma_start3A_231 = tpu.memref_slice %arg10[%dma_start3A_228, %dma_start3A_229, %dma_start3A_230] : memref<4x50x16xf32, #tpu.memory_space<vmem>> -> memref<1x50x16xf32, #tpu.memory_space<vmem>>
        %dma_start3A_232 = tpu.memref_squeeze %dma_start3A_231 : memref<1x50x16xf32, #tpu.memory_space<vmem>> -> memref<50x16xf32, #tpu.memory_space<vmem>>
        %dma_start3A_233 = arith.constant 0 : i32
        %dma_start3A_234 = tpu.memref_slice %arg8[%add3A_227, %dma_start3A_233] : memref<200x50xi32, #tpu.memory_space<vmem>> -> memref<1x50xi32, #tpu.memory_space<vmem>>
        %dma_start3A_235 = tpu.memref_squeeze %dma_start3A_234 : memref<1x50xi32, #tpu.memory_space<vmem>> -> memref<50xi32, #tpu.memory_space<vmem>>
        %dma_start3A_236 = arith.constant 0 : i32
        %dma_start3A_237 = arith.constant 0 : i32
        %dma_start3A_238 = tpu.memref_slice %arg2[%dma_start3A_236, %dma_start3A_237] : memref<10000x16xf32, #tpu.memory_space<hbm>> -> memref<10000x16xf32, #tpu.memory_space<hbm>>
        tpu.enqueue_indirect_dma source(%dma_start3A_238 : memref<10000x16xf32, #tpu.memory_space<hbm>>) target(%dma_start3A_232 : memref<50x16xf32, #tpu.memory_space<vmem>>) offsets(%dma_start3A_235 : memref<50xi32, #tpu.memory_space<vmem>>) semaphore(%arg14 : memref<!tpu.dma_semaphore, #tpu.memory_space<semaphore_mem>>)
      } else {
      }
      %mul3A_184 = arith.constant 4 : i32
      %mul3A_185 = arith.muli %scan3A_61, %mul3A_184 : i32
      %add3A_186 = arith.constant 3 : i32
      %add3A_187 = arith.addi %mul3A_185, %add3A_186 : i32
      %dma_wait3A_188 = arith.constant 3 : i32
      %dma_wait3A_189 = arith.constant 0 : i32
      %dma_wait3A_190 = arith.constant 0 : i32
      %dma_wait3A_191 = tpu.memref_slice %arg10[%dma_wait3A_188, %dma_wait3A_189, %dma_wait3A_190] : memref<4x50x16xf32, #tpu.memory_space<vmem>> -> memref<1x50x16xf32, #tpu.memory_space<vmem>>
      %dma_wait3A_192 = tpu.memref_squeeze %dma_wait3A_191 : memref<1x50x16xf32, #tpu.memory_space<vmem>> -> memref<50x16xf32, #tpu.memory_space<vmem>>
      %dma_wait3A_193 = arith.constant 0 : i32
      %dma_wait3A_194 = tpu.memref_slice %arg8[%add3A_187, %dma_wait3A_193] : memref<200x50xi32, #tpu.memory_space<vmem>> -> memref<1x50xi32, #tpu.memory_space<vmem>>
      %dma_wait3A_195 = tpu.memref_squeeze %dma_wait3A_194 : memref<1x50xi32, #tpu.memory_space<vmem>> -> memref<50xi32, #tpu.memory_space<vmem>>
      %dma_wait3A_196 = arith.constant 0 : i32
      %dma_wait3A_197 = arith.constant 0 : i32
      %dma_wait3A_198 = tpu.memref_slice %arg2[%dma_wait3A_196, %dma_wait3A_197] : memref<10000x16xf32, #tpu.memory_space<hbm>> -> memref<10000x16xf32, #tpu.memory_space<hbm>>
      tpu.wait_indirect_dma semaphore(%arg15 : memref<!tpu.dma_semaphore, #tpu.memory_space<semaphore_mem>>) src(%dma_wait3A_198 : memref<10000x16xf32, #tpu.memory_space<hbm>>) dst(%dma_wait3A_192 : memref<50x16xf32, #tpu.memory_space<vmem>>)
      %dma_start3A_199 = arith.constant 3 : i32
      %dma_start3A_200 = arith.constant 0 : i32
      %dma_start3A_201 = arith.constant 0 : i32
      %dma_start3A_202 = tpu.memref_slice %arg10[%dma_start3A_199, %dma_start3A_200, %dma_start3A_201] : memref<4x50x16xf32, #tpu.memory_space<vmem>> -> memref<1x50x16xf32, #tpu.memory_space<vmem>>
      %dma_start3A_203 = tpu.memref_squeeze %dma_start3A_202 : memref<1x50x16xf32, #tpu.memory_space<vmem>> -> memref<50x16xf32, #tpu.memory_space<vmem>>
      %dma_start3A_204 = arith.constant 0 : i32
      %dma_start3A_205 = tpu.memref_slice %arg9[%add3A_187, %dma_start3A_204] : memref<200x50xi32, #tpu.memory_space<vmem>> -> memref<1x50xi32, #tpu.memory_space<vmem>>
      %dma_start3A_206 = tpu.memref_squeeze %dma_start3A_205 : memref<1x50xi32, #tpu.memory_space<vmem>> -> memref<50xi32, #tpu.memory_space<vmem>>
      %dma_start3A_207 = arith.constant 0 : i32
      %dma_start3A_208 = arith.constant 0 : i32
      %dma_start3A_209 = tpu.memref_slice %arg11[%dma_start3A_207, %dma_start3A_208] : memref<10112x16xf32, #tpu.memory_space<vmem_shared>> -> memref<10112x16xf32, #tpu.memory_space<vmem_shared>>
      tpu.enqueue_indirect_dma source(%dma_start3A_203 : memref<50x16xf32, #tpu.memory_space<vmem>>) target(%dma_start3A_209 : memref<10112x16xf32, #tpu.memory_space<vmem_shared>>) offsets(%dma_start3A_206 : memref<50xi32, #tpu.memory_space<vmem>>) semaphore(%arg19 : memref<!tpu.dma_semaphore, #tpu.memory_space<semaphore_mem>>) {add = true}
      %dma_wait3A_210 = arith.constant 3 : i32
      %dma_wait3A_211 = arith.constant 0 : i32
      %dma_wait3A_212 = arith.constant 0 : i32
      %dma_wait3A_213 = tpu.memref_slice %arg10[%dma_wait3A_210, %dma_wait3A_211, %dma_wait3A_212] : memref<4x50x16xf32, #tpu.memory_space<vmem>> -> memref<1x50x16xf32, #tpu.memory_space<vmem>>
      %dma_wait3A_214 = tpu.memref_squeeze %dma_wait3A_213 : memref<1x50x16xf32, #tpu.memory_space<vmem>> -> memref<50x16xf32, #tpu.memory_space<vmem>>
      %dma_wait3A_215 = arith.constant 0 : i32
      %dma_wait3A_216 = tpu.memref_slice %arg9[%add3A_187, %dma_wait3A_215] : memref<200x50xi32, #tpu.memory_space<vmem>> -> memref<1x50xi32, #tpu.memory_space<vmem>>
      %dma_wait3A_217 = tpu.memref_squeeze %dma_wait3A_216 : memref<1x50xi32, #tpu.memory_space<vmem>> -> memref<50xi32, #tpu.memory_space<vmem>>
      %dma_wait3A_218 = arith.constant 0 : i32
      %dma_wait3A_219 = arith.constant 0 : i32
      %dma_wait3A_220 = tpu.memref_slice %arg11[%dma_wait3A_218, %dma_wait3A_219] : memref<10112x16xf32, #tpu.memory_space<vmem_shared>> -> memref<10112x16xf32, #tpu.memory_space<vmem_shared>>
      tpu.wait_indirect_dma semaphore(%arg19 : memref<!tpu.dma_semaphore, #tpu.memory_space<semaphore_mem>>) src(%dma_wait3A_214 : memref<50x16xf32, #tpu.memory_space<vmem>>) dst(%dma_wait3A_220 : memref<10112x16xf32, #tpu.memory_space<vmem_shared>>)
      %lt3A_221 = arith.constant 49 : i32
      %lt3A_222 = arith.cmpi slt, %scan3A_61, %lt3A_221 : i32
      %convert_element_type3A_223 = arith.extui %lt3A_222 : i1 to i32
      %cond3A_224 = arith.constant 0 : i32
      %cond3A_225 = arith.cmpi ne, %convert_element_type3A_223, %cond3A_224 : i32
      scf.if %cond3A_225 {
        %add3A_226 = arith.constant 4 : i32
        %add3A_227 = arith.addi %add3A_187, %add3A_226 : i32
        %dma_start3A_228 = arith.constant 3 : i32
        %dma_start3A_229 = arith.constant 0 : i32
        %dma_start3A_230 = arith.constant 0 : i32
        %dma_start3A_231 = tpu.memref_slice %arg10[%dma_start3A_228, %dma_start3A_229, %dma_start3A_230] : memref<4x50x16xf32, #tpu.memory_space<vmem>> -> memref<1x50x16xf32, #tpu.memory_space<vmem>>
        %dma_start3A_232 = tpu.memref_squeeze %dma_start3A_231 : memref<1x50x16xf32, #tpu.memory_space<vmem>> -> memref<50x16xf32, #tpu.memory_space<vmem>>
        %dma_start3A_233 = arith.constant 0 : i32
        %dma_start3A_234 = tpu.memref_slice %arg8[%add3A_227, %dma_start3A_233] : memref<200x50xi32, #tpu.memory_space<vmem>> -> memref<1x50xi32, #tpu.memory_space<vmem>>
        %dma_start3A_235 = tpu.memref_squeeze %dma_start3A_234 : memref<1x50xi32, #tpu.memory_space<vmem>> -> memref<50xi32, #tpu.memory_space<vmem>>
        %dma_start3A_236 = arith.constant 0 : i32
        %dma_start3A_237 = arith.constant 0 : i32
        %dma_start3A_238 = tpu.memref_slice %arg2[%dma_start3A_236, %dma_start3A_237] : memref<10000x16xf32, #tpu.memory_space<hbm>> -> memref<10000x16xf32, #tpu.memory_space<hbm>>
        tpu.enqueue_indirect_dma source(%dma_start3A_238 : memref<10000x16xf32, #tpu.memory_space<hbm>>) target(%dma_start3A_232 : memref<50x16xf32, #tpu.memory_space<vmem>>) offsets(%dma_start3A_235 : memref<50xi32, #tpu.memory_space<vmem>>) semaphore(%arg15 : memref<!tpu.dma_semaphore, #tpu.memory_space<semaphore_mem>>)
      } else {
      }
    }
    %scan3A_55 = arith.constant 50 : i32
    %barrier3A_56 = arith.constant 0 : index
    tpu.barrier barrier_id(%barrier3A_56)
    %mul3A_57 = arith.constant 632 : i32
    %mul3A_58 = arith.muli %arg1, %mul3A_57 : i32
    %mul3A_59 = arith.constant 632 : i32
    %mul3A_60 = arith.muli %arg1, %mul3A_59 : i32
    "tpu.region"() ({
      %run_scoped3A_61 = tpu.sem_alloc : memref<!tpu.dma_semaphore, #tpu.memory_space<semaphore_mem>>
      %dma_start3A_62 = arith.constant 0 : i32
      %dma_start3A_63 = arith.constant 0 : i32
      %dma_start3A_64 = tpu.memref_slice %arg7[%arg0, %dma_start3A_62, %dma_start3A_63] : memref<2x10112x16xf32, #tpu.memory_space<hbm>> -> memref<1x10112x16xf32, #tpu.memory_space<hbm>>
      %dma_start3A_65 = tpu.memref_squeeze %dma_start3A_64 : memref<1x10112x16xf32, #tpu.memory_space<hbm>> -> memref<10112x16xf32, #tpu.memory_space<hbm>>
      %dma_start3A_66 = arith.constant 0 : i32
      %dma_start3A_67 = tpu.memref_slice %dma_start3A_65[%mul3A_60, %dma_start3A_66] : memref<10112x16xf32, #tpu.memory_space<hbm>> -> memref<632x16xf32, #tpu.memory_space<hbm>>
      %dma_start3A_68 = arith.constant 0 : i32
      %dma_start3A_69 = tpu.memref_slice %arg11[%mul3A_58, %dma_start3A_68] : memref<10112x16xf32, #tpu.memory_space<vmem_shared>> -> memref<632x16xf32, #tpu.memory_space<vmem_shared>>
      tpu.enqueue_dma source(%dma_start3A_69 : memref<632x16xf32, #tpu.memory_space<vmem_shared>>) target(%dma_start3A_67 : memref<632x16xf32, #tpu.memory_space<hbm>>) target_semaphore(%run_scoped3A_61 : memref<!tpu.dma_semaphore, #tpu.memory_space<semaphore_mem>>)
      %dma_wait3A = arith.constant 0 : i32
      %dma_wait3A_70 = arith.constant 0 : i32
      %dma_wait3A_71 = tpu.memref_slice %arg7[%arg0, %dma_wait3A, %dma_wait3A_70] : memref<2x10112x16xf32, #tpu.memory_space<hbm>> -> memref<1x10112x16xf32, #tpu.memory_space<hbm>>
      %dma_wait3A_72 = tpu.memref_squeeze %dma_wait3A_71 : memref<1x10112x16xf32, #tpu.memory_space<hbm>> -> memref<10112x16xf32, #tpu.memory_space<hbm>>
      %dma_wait3A_73 = arith.constant 0 : i32
      %dma_wait3A_74 = tpu.memref_slice %dma_wait3A_72[%mul3A_60, %dma_wait3A_73] : memref<10112x16xf32, #tpu.memory_space<hbm>> -> memref<632x16xf32, #tpu.memory_space<hbm>>
      %dma_wait3A_75 = arith.constant 0 : i32
      %dma_wait3A_76 = tpu.memref_slice %arg11[%mul3A_58, %dma_wait3A_75] : memref<10112x16xf32, #tpu.memory_space<vmem_shared>> -> memref<632x16xf32, #tpu.memory_space<vmem_shared>>
      tpu.wait_dma2 semaphore(%run_scoped3A_61 : memref<!tpu.dma_semaphore, #tpu.memory_space<semaphore_mem>>) src(%dma_wait3A_76 : memref<632x16xf32, #tpu.memory_space<vmem_shared>>) dst(%dma_wait3A_74 : memref<632x16xf32, #tpu.memory_space<hbm>>)
      tpu.yield
    }) : () -> ()
    return
  }
}

module attributes {stable_mosaic.version = 14 : i64} {
  func.func @_tc1_body(%arg0: memref<10000x128xf32, #tpu.memory_space<vmem>>, %arg1: memref<2x10112x128xf32, #tpu.memory_space<vmem>>, %arg2: memref<2x10112xf32, #tpu.memory_space<vmem>>, %arg3: memref<128x128xf32, #tpu.memory_space<vmem>>, %arg4: memref<1x128xf32, #tpu.memory_space<vmem>>, %arg5: memref<128x128xf32, #tpu.memory_space<vmem>>, %arg6: memref<128x16xf32, #tpu.memory_space<vmem>>, %arg7: memref<1x16xf32, #tpu.memory_space<vmem>>, %arg8: memref<128x16xf32, #tpu.memory_space<vmem>>, %arg9: memref<10000x16xf32, #tpu.memory_space<vmem>>, %arg10: memref<10000x16xf32, #tpu.memory_space<vmem>>) attributes {dimension_semantics = [], scalar_prefetch = 0 : i64, scratch_operands = 0 : i64, tpu.core_type = #tpu.core_type<tc>} {
    %get3A = arith.constant 0 : index
    %get3A_0 = arith.constant 0 : index
    %get3A_1 = vector.load %arg2[%get3A, %get3A_0] : memref<2x10112xf32, #tpu.memory_space<vmem>>, vector<1x10000xf32>
    %get3A_2 = vector.shape_cast %get3A_1 : vector<1x10000xf32> to vector<10000xf32>
    %get3A_3 = arith.constant 1 : index
    %get3A_4 = arith.constant 0 : index
    %get3A_5 = vector.load %arg2[%get3A_3, %get3A_4] : memref<2x10112xf32, #tpu.memory_space<vmem>>, vector<1x10000xf32>
    %get3A_6 = vector.shape_cast %get3A_5 : vector<1x10000xf32> to vector<10000xf32>
    %add3A = arith.addf %get3A_2, %get3A_6 : vector<10000xf32>
    %max3A = arith.constant 1.000000e+00 : f32
    %max3A_7 = vector.broadcast %max3A : f32 to vector<10000xf32>
    %max3A_8 = arith.maximumf %add3A, %max3A_7 : vector<10000xf32>
    %get3A_9 = arith.constant 0 : index
    %get3A_10 = arith.constant 0 : index
    %get3A_11 = arith.constant 0 : index
    %get3A_12 = vector.load %arg1[%get3A_9, %get3A_10, %get3A_11] : memref<2x10112x128xf32, #tpu.memory_space<vmem>>, vector<1x10000x128xf32>
    %get3A_13 = vector.shape_cast %get3A_12 : vector<1x10000x128xf32> to vector<10000x128xf32>
    %get3A_14 = arith.constant 1 : index
    %get3A_15 = arith.constant 0 : index
    %get3A_16 = arith.constant 0 : index
    %get3A_17 = vector.load %arg1[%get3A_14, %get3A_15, %get3A_16] : memref<2x10112x128xf32, #tpu.memory_space<vmem>>, vector<1x10000x128xf32>
    %get3A_18 = vector.shape_cast %get3A_17 : vector<1x10000x128xf32> to vector<10000x128xf32>
    %add3A_19 = arith.addf %get3A_13, %get3A_18 : vector<10000x128xf32>
    %broadcast_in_dim3A = vector.shape_cast %max3A_8 : vector<10000xf32> to vector<10000x1xf32>
    %div3A = vector.broadcast %broadcast_in_dim3A : vector<10000x1xf32> to vector<10000x128xf32>
    %div3A_20 = arith.divf %add3A_19, %div3A : vector<10000x128xf32>
    %get3A_21 = arith.constant 0 : index
    %get3A_22 = arith.constant 0 : index
    %get3A_23 = vector.load %arg3[%get3A_21, %get3A_22] : memref<128x128xf32, #tpu.memory_space<vmem>>, vector<128x128xf32>
    %dot_general3A = arith.constant dense<0.000000e+00> : vector<10000x128xf32>
    %dot_general3A_24 = tpu.matmul %div3A_20, %get3A_23, %dot_general3A {dimension_numbers = #tpu.dot_dimension_numbers<[1], [0], [0], [1], [0, 0, 1, 1], [], []>, transpose_lhs_hint = false} : vector<10000x128xf32>, vector<128x128xf32>, vector<10000x128xf32> -> vector<10000x128xf32>
    %get3A_25 = arith.constant 0 : index
    %get3A_26 = arith.constant 0 : index
    %get3A_27 = vector.load %arg4[%get3A_25, %get3A_26] : memref<1x128xf32, #tpu.memory_space<vmem>>, vector<1x128xf32>
    %add3A_28 = vector.broadcast %get3A_27 : vector<1x128xf32> to vector<10000x128xf32>
    %add3A_29 = arith.addf %dot_general3A_24, %add3A_28 : vector<10000x128xf32>
    %get3A_30 = arith.constant 0 : index
    %get3A_31 = arith.constant 0 : index
    %get3A_32 = vector.load %arg0[%get3A_30, %get3A_31] : memref<10000x128xf32, #tpu.memory_space<vmem>>, vector<10000x128xf32>
    %get3A_33 = arith.constant 0 : index
    %get3A_34 = arith.constant 0 : index
    %get3A_35 = vector.load %arg5[%get3A_33, %get3A_34] : memref<128x128xf32, #tpu.memory_space<vmem>>, vector<128x128xf32>
    %dot_general3A_36 = arith.constant dense<0.000000e+00> : vector<10000x128xf32>
    %dot_general3A_37 = tpu.matmul %get3A_32, %get3A_35, %dot_general3A_36 {dimension_numbers = #tpu.dot_dimension_numbers<[1], [0], [0], [1], [0, 0, 1, 1], [], []>, transpose_lhs_hint = false} : vector<10000x128xf32>, vector<128x128xf32>, vector<10000x128xf32> -> vector<10000x128xf32>
    %add3A_38 = arith.addf %add3A_29, %dot_general3A_37 : vector<10000x128xf32>
    %max3A_39 = arith.constant 0.000000e+00 : f32
    %max3A_40 = vector.broadcast %max3A_39 : f32 to vector<10000x128xf32>
    %max3A_41 = arith.maximumf %add3A_38, %max3A_40 : vector<10000x128xf32>
    %get3A_42 = arith.constant 0 : index
    %get3A_43 = arith.constant 0 : index
    %get3A_44 = vector.load %arg6[%get3A_42, %get3A_43] : memref<128x16xf32, #tpu.memory_space<vmem>>, vector<128x16xf32>
    %dot_general3A_45 = arith.constant dense<0.000000e+00> : vector<10000x16xf32>
    %dot_general3A_46 = tpu.matmul %max3A_41, %get3A_44, %dot_general3A_45 {dimension_numbers = #tpu.dot_dimension_numbers<[1], [0], [0], [1], [0, 0, 1, 1], [], []>, transpose_lhs_hint = false} : vector<10000x128xf32>, vector<128x16xf32>, vector<10000x16xf32> -> vector<10000x16xf32>
    %swap3A = arith.constant 0 : index
    %swap3A_47 = arith.constant 0 : index
    %swap3A_48 = vector.load %arg9[%swap3A, %swap3A_47] : memref<10000x16xf32, #tpu.memory_space<vmem>>, vector<10000x16xf32>
    tpu.vector_store %arg9[%swap3A, %swap3A_47], %dot_general3A_46 {strides = array<i32>} : memref<10000x16xf32, #tpu.memory_space<vmem>>, vector<10000x16xf32>,
    %get3A_49 = arith.constant 0 : index
    %get3A_50 = arith.constant 0 : index
    %get3A_51 = vector.load %arg8[%get3A_49, %get3A_50] : memref<128x16xf32, #tpu.memory_space<vmem>>, vector<128x16xf32>
    %dot_general3A_52 = arith.constant dense<0.000000e+00> : vector<10000x16xf32>
    %dot_general3A_53 = tpu.matmul %max3A_41, %get3A_51, %dot_general3A_52 {dimension_numbers = #tpu.dot_dimension_numbers<[1], [0], [0], [1], [0, 0, 1, 1], [], []>, transpose_lhs_hint = false} : vector<10000x128xf32>, vector<128x16xf32>, vector<10000x16xf32> -> vector<10000x16xf32>
    %get3A_54 = arith.constant 0 : index
    %get3A_55 = arith.constant 0 : index
    %get3A_56 = vector.load %arg7[%get3A_54, %get3A_55] : memref<1x16xf32, #tpu.memory_space<vmem>>, vector<1x16xf32>
    %add3A_57 = vector.broadcast %get3A_56 : vector<1x16xf32> to vector<10000x16xf32>
    %add3A_58 = arith.addf %dot_general3A_53, %add3A_57 : vector<10000x16xf32>
    %swap3A_59 = arith.constant 0 : index
    %swap3A_60 = arith.constant 0 : index
    %swap3A_61 = vector.load %arg10[%swap3A_59, %swap3A_60] : memref<10000x16xf32, #tpu.memory_space<vmem>>, vector<10000x16xf32>
    tpu.vector_store %arg10[%swap3A_59, %swap3A_60], %add3A_58 {strides = array<i32>} : memref<10000x16xf32, #tpu.memory_space<vmem>>, vector<10000x16xf32>,
    return
  }
}

module attributes {stable_mosaic.version = 14 : i64} {
  func.func @_tc2_body(%arg0: memref<2x10112x16xf32, #tpu.memory_space<vmem>>, %arg1: memref<2x10112xf32, #tpu.memory_space<vmem>>, %arg2: memref<10000x16xf32, #tpu.memory_space<vmem>>, %arg3: memref<1x10000xi32, #tpu.memory_space<vmem>>, %arg4: memref<64x16xf32, #tpu.memory_space<vmem>>) attributes {dimension_semantics = [], scalar_prefetch = 0 : i64, scratch_operands = 0 : i64, tpu.core_type = #tpu.core_type<tc>} {
    %get3A = arith.constant 0 : index
    %get3A_0 = arith.constant 0 : index
    %get3A_1 = vector.load %arg1[%get3A, %get3A_0] : memref<2x10112xf32, #tpu.memory_space<vmem>>, vector<1x10000xf32>
    %get3A_2 = vector.shape_cast %get3A_1 : vector<1x10000xf32> to vector<10000xf32>
    %get3A_3 = arith.constant 1 : index
    %get3A_4 = arith.constant 0 : index
    %get3A_5 = vector.load %arg1[%get3A_3, %get3A_4] : memref<2x10112xf32, #tpu.memory_space<vmem>>, vector<1x10000xf32>
    %get3A_6 = vector.shape_cast %get3A_5 : vector<1x10000xf32> to vector<10000xf32>
    %add3A = arith.addf %get3A_2, %get3A_6 : vector<10000xf32>
    %max3A = arith.constant 1.000000e+00 : f32
    %max3A_7 = vector.broadcast %max3A : f32 to vector<10000xf32>
    %max3A_8 = arith.maximumf %add3A, %max3A_7 : vector<10000xf32>
    %get3A_9 = arith.constant 0 : index
    %get3A_10 = arith.constant 0 : index
    %get3A_11 = arith.constant 0 : index
    %get3A_12 = vector.load %arg0[%get3A_9, %get3A_10, %get3A_11] : memref<2x10112x16xf32, #tpu.memory_space<vmem>>, vector<1x10000x16xf32>
    %get3A_13 = vector.shape_cast %get3A_12 : vector<1x10000x16xf32> to vector<10000x16xf32>
    %get3A_14 = arith.constant 1 : index
    %get3A_15 = arith.constant 0 : index
    %get3A_16 = arith.constant 0 : index
    %get3A_17 = vector.load %arg0[%get3A_14, %get3A_15, %get3A_16] : memref<2x10112x16xf32, #tpu.memory_space<vmem>>, vector<1x10000x16xf32>
    %get3A_18 = vector.shape_cast %get3A_17 : vector<1x10000x16xf32> to vector<10000x16xf32>
    %add3A_19 = arith.addf %get3A_13, %get3A_18 : vector<10000x16xf32>
    %broadcast_in_dim3A = vector.shape_cast %max3A_8 : vector<10000xf32> to vector<10000x1xf32>
    %div3A = vector.broadcast %broadcast_in_dim3A : vector<10000x1xf32> to vector<10000x16xf32>
    %div3A_20 = arith.divf %add3A_19, %div3A : vector<10000x16xf32>
    %get3A_21 = arith.constant 0 : index
    %get3A_22 = arith.constant 0 : index
    %get3A_23 = vector.load %arg2[%get3A_21, %get3A_22] : memref<10000x16xf32, #tpu.memory_space<vmem>>, vector<10000x16xf32>
    %add3A_24 = arith.addf %div3A_20, %get3A_23 : vector<10000x16xf32>
    %iota3A = tpu.iota {dimensions = array<i32: 0>} : vector<64x10000xi32>
    %get3A_25 = arith.constant 0 : index
    %get3A_26 = arith.constant 0 : index
    %get3A_27 = vector.load %arg3[%get3A_25, %get3A_26] : memref<1x10000xi32, #tpu.memory_space<vmem>>, vector<1x10000xi32>
    %eq3A = vector.broadcast %get3A_27 : vector<1x10000xi32> to vector<64x10000xi32>
    %eq3A_28 = arith.cmpi eq, %iota3A, %eq3A : vector<64x10000xi32>
    %convert_element_type3A = arith.extui %eq3A_28 : vector<64x10000xi1> to vector<64x10000xi32>
    %convert_element_type3A_29 = arith.sitofp %convert_element_type3A : vector<64x10000xi32> to vector<64x10000xf32>
    %dot_general3A = arith.constant dense<0.000000e+00> : vector<64x16xf32>
    %dot_general3A_30 = tpu.matmul %convert_element_type3A_29, %add3A_24, %dot_general3A {dimension_numbers = #tpu.dot_dimension_numbers<[1], [0], [0], [1], [0, 0, 1, 1], [], []>, transpose_lhs_hint = false} : vector<64x10000xf32>, vector<10000x16xf32>, vector<64x16xf32> -> vector<64x16xf32>
    %reduce_sum3A = arith.constant dense<0.000000e+00> : vector<64xf32>
    %reduce_sum3A_31 = vector.multi_reduction <add>, %convert_element_type3A_29, %reduce_sum3A [1] : vector<64x10000xf32> to vector<64xf32>
    %broadcast_in_dim3A_32 = vector.shape_cast %reduce_sum3A_31 : vector<64xf32> to vector<64x1xf32>
    %max3A_33 = arith.constant 1.000000e+00 : f32
    %max3A_34 = vector.broadcast %max3A_33 : f32 to vector<64x1xf32>
    %max3A_35 = arith.maximumf %broadcast_in_dim3A_32, %max3A_34 : vector<64x1xf32>
    %div3A_36 = vector.broadcast %max3A_35 : vector<64x1xf32> to vector<64x16xf32>
    %div3A_37 = arith.divf %dot_general3A_30, %div3A_36 : vector<64x16xf32>
    %reduce_max3A = arith.constant dense<0xFF800000> : vector<64xf32>
    %reduce_max3A_38 = vector.multi_reduction <maximumf>, %div3A_37, %reduce_max3A [1] : vector<64x16xf32> to vector<64xf32>
    %broadcast_in_dim3A_39 = vector.shape_cast %reduce_max3A_38 : vector<64xf32> to vector<64x1xf32>
    %sub3A = vector.broadcast %broadcast_in_dim3A_39 : vector<64x1xf32> to vector<64x16xf32>
    %sub3A_40 = arith.subf %div3A_37, %sub3A : vector<64x16xf32>
    %exp3A = math.exp %sub3A_40 : vector<64x16xf32>
    %reduce_sum3A_41 = arith.constant dense<0.000000e+00> : vector<64xf32>
    %reduce_sum3A_42 = vector.multi_reduction <add>, %exp3A, %reduce_sum3A_41 [1] : vector<64x16xf32> to vector<64xf32>
    %broadcast_in_dim3A_43 = vector.shape_cast %reduce_sum3A_42 : vector<64xf32> to vector<64x1xf32>
    %log3A = math.log %broadcast_in_dim3A_43 : vector<64x1xf32>
    %add3A_44 = arith.addf %broadcast_in_dim3A_39, %log3A : vector<64x1xf32>
    %sub3A_45 = vector.broadcast %add3A_44 : vector<64x1xf32> to vector<64x16xf32>
    %sub3A_46 = arith.subf %div3A_37, %sub3A_45 : vector<64x16xf32>
    %swap3A = arith.constant 0 : index
    %swap3A_47 = arith.constant 0 : index
    %swap3A_48 = vector.load %arg4[%swap3A, %swap3A_47] : memref<64x16xf32, #tpu.memory_space<vmem>>, vector<64x16xf32>
    tpu.vector_store %arg4[%swap3A, %swap3A_47], %sub3A_46 {strides = array<i32>} : memref<64x16xf32, #tpu.memory_space<vmem>>, vector<64x16xf32>,
    return
  }
}

</mosaic_0001>

<sc_bundles>
// kernel: kernel.6.cloned.1.call-start
scs
__scs_entry_jumppad:
0x0: {  	(pc) =	sbr.rel $0x88, $3  }
0x1: {  	(tag) =	ssettag $0x0;
	lr =	simm.s32 $0x1  }
0x2: {  	[smem:$0x3F98] =	sst lr;
	_ =	strace $0xD0000000  }
0x3: {  	_ = 	snop  }
0x4: {  	_ = 	snop  }
0x5: {  	_ = 	snop  }
0x6: {  	_ = 	snop  }
0x7: {  	_ = 	snop  }
__scs_overlays_trampoline_lowered:
0x8: {  	[smem:$0x3FA7] =	sst s0  }
0x9: {  	[smem:$0x3FA8] =	sst s1  }
0xa: {  	[smem:$0x3FA9] =	sst s2  }
0xb: {  	[smem:$0x3FAA] =	sst s3  }
0xc: {  	[smem:$0x3FAB] =	sst s4  }
0xd: {  	[smem:$0x3FAC] =	sst s5  }
0xe: {  	[smem:$0x3FAD] =	sst s6  }
0xf: {  	[smem:$0x3FAE] =	sst s7  }
0x10: {  	[smem:$0x3FAF] =	sst s8  }
0x11: {  	[smem:$0x3FB0] =	sst s9;
	s0 =	simm.s32 @!p0 $0x0  }
0x12: {  	s1 =	sld [smem:$0x3F96];
	s0 =	simm.s32 @p0 $0x1  }
0x13: {  	[smem:$0x3FB1] =	sst s0;
	s0 =	simm.s32 @!p1 $0x0  }
0x14: {  	s2 =	sld [smem:$0x3F95];
	s0 =	simm.s32 @p1 $0x1  }
0x15: {  	[smem:$0x3FB2] =	sst s0;
	s0 =	simm.s32 @!p2 $0x0  }
0x16: {  	s3 =	sld [smem:$0x3FDB];
	s0 =	simm.s32 @p2 $0x1  }
0x17: {  	s4 =	simm.s32 $0x1BF5;
	[smem:$0x3FB4] =	sst s0  }
0x18: {  	s0 =	sld [smem:$0x3F97];
	_ =	swait.ge [sflag:s4], $0x0  }
0x19: {  	s7 =	sld [smem:$0x3F98]  }
0x1a: {  	s8 =	sadd.s32 $0xFFFFE003, lr  }
0x1b: {  	s9 =	sadd.s32 $0xFFFFFEF7, lr;
	s5 =	simm.s32 $0xFFFFFFFF;
	p2 =	slt.u32 s8, $0xFFFFF086  }
0x1c: {  	p1 =	slt.u32 s9, $0xF7A;
	s5 =	simm.s32 @!p2 $0x0  }
0x1d: {  	s5 =	simm.s32 @p1 $0x1;
	p0 =	seq.s32 s7, s2  }
0x1e: {  	s7 =	smul.u32 @!p0 $0xF7A, s2;
	p2 =	seq.s32 @!p0 s5, $0x0  }
0x1f: {  	s9 =	smul.u32 $0xF7A, s1;
	s8 =	simm.s32 @!p0 $0x1BF5;
	p2 =	por !p2, p0  }
0x20: {  	[sflag:s8] =	ssyncset.s32 @!p0 $0xFFFFF086;
	s6 =	sadd.s32 @!p0 s3, s7;
	s7 =	simm.s32 @!p0 $0x108  }
0x21: {  	s3 =	sadd.s32 s3, s9;
	s6 =	sadd.s32 @!p0 $0x88, s6;
	s7 =	simm.s32 @p2 $0x1082  }
0x22: {  	[simem:s7], [sflag:s8] =	dma.local @!p0 [hbm:s6], $0xF7A  }
0x23: {  	s9 =	sor.u32 $0xD0000000, s2;
	s6 =	simm.s32 $0x108;
	_ =	swait.ge @!p0 [sflag:s8], $0x0  }
0x24: {  	s3 =	sadd.s32 $0x88, s3;
	s6 =	simm.s32 @!p1 $0x1082;
	[sflag:s4] =	ssyncset.s32 $0xFFFFF086  }
0x25: {  	[simem:s6], [sflag:s4] =	dma.local [hbm:s3], $0xF7A  }
0x26: {  	[smem:$0x3F98] =	sst s1;
	(tag) =	ssettag s2;
	_ =	strace s9  }
0x27: {  	s1 =	sld [smem:$0x3FA8]  }
0x28: {  	s2 =	sld [smem:$0x3FA9]  }
0x29: {  	s4 =	sld [smem:$0x3FAB]  }
0x2a: {  	p0 =	seq.s32 s5, $0x0;
	s5 =	sld [smem:$0x3FAC]  }
0x2b: {  	s6 =	sld [smem:$0x3FAD]  }
0x2c: {  	s7 =	sld [smem:$0x3FAE]  }
0x2d: {  	s3 =	simm.s32 $0x108;
	s8 =	sld [smem:$0x3FAF]  }
0x2e: {  	s3 =	simm.s32 @!p0 $0x1082;
	s9 =	sld [smem:$0x3FB0]  }
0x2f: {  	lr =	sadd.s32 s0, s3;
	s0 =	sld [smem:$0x3FA7]  }
0x30: {  	s3 =	sld [smem:$0x3FAA]  }
0x31: {  	[smem:$0x3FB3] =	sst s10  }
0x32: {  	s10 =	sld [smem:$0x3FB1];
	_ =	sdelay $0x3  }
0x33: {  	p0 =	seq.s32 s10, $0x1;
	s10 =	sld [smem:$0x3FB3];
	_ =	sdelay $0x3  }
0x34: {  	[smem:$0x3FB3] =	sst s10  }
0x35: {  	s10 =	sld [smem:$0x3FB2];
	_ =	sdelay $0x3  }
0x36: {  	p1 =	seq.s32 s10, $0x1;
	s10 =	sld [smem:$0x3FB3];
	_ =	sdelay $0x3  }
0x37: {  	[smem:$0x3FB3] =	sst s10  }
0x38: {  	s10 =	sld [smem:$0x3FB4]  }
0x39: {  	_ = 	snop;
	(pc) =	sbr.ind lr, $3  }
0x3a: {  	_ = 	snop  }
0x3b: {  	_ = 	snop  }
0x3c: {  	p2 =	seq.s32 s10, $0x1;
	s10 =	sld [smem:$0x3FB3]  }
0x3d: {  	_ =	shalt  }
0x3e: {  	_ =	shalt  }
0x3f: {  	_ =	shalt  }
0x40: {  	_ =	shalt  }
0x41: {  	_ =	shalt  }
0x42: {  	_ =	shalt  }
0x43: {  	_ =	shalt  }
0x44: {  	_ =	shalt  }
0x45: {  	_ =	shalt  }
0x46: {  	_ =	shalt  }
0x47: {  	_ =	shalt  }
0x48: {  	_ =	shalt  }
0x49: {  	_ =	shalt  }
0x4a: {  	_ =	shalt  }
0x4b: {  	_ =	shalt  }
0x4c: {  	_ =	shalt  }
0x4d: {  	_ =	shalt  }
0x4e: {  	_ =	shalt  }
0x4f: {  	_ =	shalt  }
0x50: {  	_ =	shalt  }
0x51: {  	_ =	shalt  }
0x52: {  	_ =	shalt  }
0x53: {  	_ =	shalt  }
0x54: {  	_ =	shalt  }
0x55: {  	_ =	shalt  }
0x56: {  	_ =	shalt  }
0x57: {  	_ =	shalt  }
0x58: {  	_ =	shalt  }
0x59: {  	_ =	shalt  }
0x5a: {  	_ =	shalt  }
0x5b: {  	_ =	shalt  }
0x5c: {  	_ =	shalt  }
0x5d: {  	_ =	shalt  }
0x5e: {  	_ =	shalt  }
0x5f: {  	_ =	shalt  }
0x60: {  	_ =	shalt  }
0x61: {  	_ =	shalt  }
0x62: {  	_ =	shalt  }
0x63: {  	_ =	shalt  }
0x64: {  	_ =	shalt  }
0x65: {  	_ =	shalt  }
0x66: {  	_ =	shalt  }
0x67: {  	_ =	shalt  }
0x68: {  	_ =	shalt  }
0x69: {  	_ =	shalt  }
0x6a: {  	_ =	shalt  }
0x6b: {  	_ =	shalt  }
0x6c: {  	_ =	shalt  }
0x6d: {  	_ =	shalt  }
0x6e: {  	_ =	shalt  }
0x6f: {  	_ =	shalt  }
0x70: {  	_ =	shalt  }
0x71: {  	_ =	shalt  }
0x72: {  	_ =	shalt  }
0x73: {  	_ =	shalt  }
0x74: {  	_ =	shalt  }
0x75: {  	_ =	shalt  }
0x76: {  	_ =	shalt  }
0x77: {  	_ =	shalt  }
0x78: {  	_ =	shalt  }
0x79: {  	_ =	shalt  }
0x7a: {  	_ =	shalt  }
0x7b: {  	_ =	shalt  }
0x7c: {  	_ =	shalt  }
0x7d: {  	_ =	shalt  }
0x7e: {  	_ =	shalt  }
0x7f: {  	_ =	shalt  }
0x80: {  	_ =	shalt  }
0x81: {  	_ =	shalt  }
0x82: {  	_ =	shalt  }
0x83: {  	_ =	shalt  }
0x84: {  	_ =	shalt  }
0x85: {  	_ =	shalt  }
0x86: {  	_ =	shalt  }
0x87: {  	_ =	shalt  }
.Lfunc_end0:
.L_simem_size_0:
called_computation_lowered:
.L_overlay_start_0:
0x88: {  	s2 =	sld [smem:$0x3FD9]  }
0x89: {  	s3 =	sld [smem:$0x3FFE];
	_ =	sdelay $0x1  }
0x8a: {  	s1 =	srdreg.scid  }
0x8b: {  	s0 =	sand.u32 $0x1, s1  }
0x8c: {  	s17 =	sshll.u32 s0, $0xA;
	s2 =	sadd.s32 s3, s2  }
0x8d: {  	s2 =	sadd.s32 s2, s17  }
0x8e: {  	[smem:$0x3FBF] =	sst s2  }
0x8f: {  	_ = 	snop  }
0x90: {  	s2 =	sld [smem:$0x3FC9]  }
0x91: {  	s18 =	sld [smem:$0x3FD0];
	(tm) =	ssettm $0x1  }
0x92: {  	s4 =	sld [smem:$0x3FFB];
	_ =	sdelay $0x3  }
0x93: {  	_ =	strace s4  }
0x94: {  	s4 =	sld [smem:$0x3FFC];
	_ =	sdelay $0x3  }
0x95: {  	_ =	strace s4  }
0x96: {  	s4 =	sld [smem:$0x3FFD];
	_ =	sdelay $0x3  }
0x97: {  	_ =	strace s4  }
0x98: {  	_ =	strace $0x8FFFFFFF  }
0x99: {  	s19 =	sld [smem:$0x3FDB];
	_ =	sdelay $0x1  }
0x9a: {  	s5 =	simm.s32 $_scs_section_size  }
0x9b: {  	s6 =	simm.s32 $_size__tile_overlayer_lowered;
	s7 =	simm.s32 $_tile_overlayer_lowered  }
0x9c: {  	s22 =	simm.s32 $0x1BFF;
	s21 =	sshll.u32 s7, $0x1;
	s4 =	sadd.s32 s5, s19  }
0x9d: {  	s8 =	simm.s32 $0x0;
	s20 =	sshll.u32 s6, $0x1;
	s6 =	sadd.s32 s21, s4  }
0x9e: {  	[timem:s8], [sflag:s22] =	dma.local [hbm:s6], s20  }
0x9f: {  	_ =	swait.ge [sflag:s22], s20  }
0xa0: {  	s5 =	ssub.s32 $0x0, s20;
	[sflag:s22] =	ssyncset.done $0x0  }
0xa1: {  	[sflag:s22] =	ssyncadd.s32 s5;
	_ =	sdelay $0x1  }
0xa2: {  	s23 =	simm.s32 $0x1B8B  }
0xa3: {  	_ =	swait.ge [sflag:s23], $0x1  }
0xa4: {  	[sflag:s23] =	ssyncset.done $0x0  }
0xa5: {  	s25 =	simm.s32 $0x1B8E;
	s24 =	sld [smem:$0x3FFE];
	[sflag:s23] =	ssyncadd.s32 $0xFFFFFFFF  }
0xa6: {  	s26 =	simm.s32 $execute0_lowered;
	[smem:$0x3FD2] =	sst s25  }
0xa7: {  	s6 =	sshll.u32 s26, $0x1;
	_ =	strace $0x80000046;
	[dreg:$0x1] =	wrdreg $0xFFFFFFFF  }
0xa8: {  	s28 =	simm.s32 $_size_execute0_lowered;
	s4 =	sadd.s32 s4, s6;
	[dreg:$0x0] =	wrdreg $0x0  }
0xa9: {  	s6 =	sshll.u32 s28, $0x1;
	[dreg:$0x2] =	wrdreg s4  }
0xaa: {  	[dreg:$0x3] =	wrdreg s6  }
0xab: {  	[dreg:$0x4] =	wrdreg $0xC0  }
0xac: {  	_ =	task [dreg:s8], $0x5FFFF  }
0xad: {  	[dreg:$0x1] =	wrdreg $0xFFFFFFFF  }
0xae: {  	[dreg:$0x0] =	wrdreg $0x60  }
0xaf: {  	[dreg:$0x2] =	wrdreg s2  }
0xb0: {  	[dreg:$0x3] =	wrdreg s24  }
0xb1: {  	[dreg:$0x4] =	wrdreg s18  }
0xb2: {  	[dreg:$0x5] =	wrdreg $0xBB800  }
0xb3: {  	[dreg:$0x6] =	wrdreg $0x1F7B80  }
0xb4: {  	[dreg:$0x7] =	wrdreg $0x9  }
0xb5: {  	_ =	task.clear_ibuf [dreg:s8], $0x8FFFF;
	_ =	strace $0x90000046  }
0xb6: {  	s29 =	simm.s32 $0x9;
	_ =	strace $0x80000048  }
0xb7: {  	_ =	swait.ge [sflag:s29], $0x1  }
0xb8: {  	[sflag:s29] =	ssyncadd.s32 $0xFFFFFFFF  }
0xb9: {  	_ =	strace $0x90000048  }
0xba: {  	_ =	sfence  }
0xbb: {  	s30 =	sld [smem:$0x0];
	_ =	sdelay $0x2  }
0xbc: {  	s31 =	sshll.u32 s1, $0xD;
	s1 =	sshrl.u32 s1, $0x2  }
0xbd: {  	s3 =	sand.u32 $0x4000, s31;
	s1 =	sadd.s32 s1, s30  }
0xbe: {  	s0 =	sor.u32 s3, s0;
	s1 =	sshll.u32 s1, $0x11  }
0xbf: {  	s0 =	sor.u32 s1, s0  }
0xc0: {  	s0 =	sadd.s32 $0x8F2B, s0  }
0xc1: {  	[sflag:s0] =	ssyncadd.remote.s32 $0x1  }
0xc2: {  	_ =	sfence.sel $0xFFFF  }
0xc3: {  	[dreg:$0x0] =	wrdreg $0xFFFFFFFF;
	(pc) =	sbr.abs _section_cstart, $3  }
0xc4: {  	[dreg:$0x1] =	wrdreg $0xFFFFFFFF  }
0xc5: {  	_ =	task.clear_ibuf [dreg:s8], $0x2FFFF;
	_ =	strace $0x9FFFFFFF  }
0xc6: {  	(tm) =	ssettm $0x7FFFFFFF  }
0xc7: {  	_ =	shalt  }
tec
execute0_lowered:
.L_overlay_start_1:
0x0: {  	(tag) =	ssettag $0x1  }
0x1: {  	s0 =	rddreg [dreg:$0x0]  }
0x2: {  	s1 =	rddreg [dreg:$0x1]  }
0x3: {  	s2 =	srdreg.scid;
	s4 =	rddreg [dreg:$0x3]  }
0x4: {  	s5 =	rddreg [dreg:$0x4];
	s14 =	stileid.u32;
	s6 =	simm.s32 $0x0  }
0x5: {  	s17 =	simm.s32 $0x1F780;
	s18 =	simm.s32 $0x32;
	s19 =	simm.s32 $0x5780  }
0x6: {  	s21 =	simm.s32 $0x7080;
	s28 =	simm.s32 $0xA280;
	s29 =	simm.s32 $0x1  }
0x7: {  	s30 =	simm.s32 $0x5;
	s31 =	simm.s32 $0x2;
	s20 =	simm.s32 $0x8  }
0x8: {  	s2 =	sand.u32 $0x1, s2;
	[smem:$0x7FF] =	sst s6;
	s23 =	smul.u32 $0x278, s14  }
0x9: {  	s9 =	sadd.s32 $0x18400, s1;
	s10 =	sadd.s32 $0x18200, s1;
	s12 =	smul.u32 $0x13C00, s14  }
0xa: {  	s25 =	sshll.u32 s14, $0x6;
	s3 =	sshll.u32 s2, $0x4;
	s7 =	smul.u32 $0x27800, s2  }
0xb: {  	_ =	strace $0x80000047;
	[dreg:$0x6] =	wrdreg s9;
	s22 =	smul.u32 $0x4F0, s2  }
0xc: {  	[dreg:$0x7] =	wrdreg s10;
	s2 =	ssub.s32 $0x2, s2;
	s3 =	sor.u32 s14, s3  }
0xd: {  	s11 =	sshrl.u32 s2, $0x1;
	s24 =	sadd.s32 s12, s4;
	s13 =	sadd.s32 s23, s5  }
0xe: {  	s12 =	sshrl.u32 s12, $0x3;
	s10 =	sshrl.u32 s23, $0x3;
	s14 =	sor.u32 $0x1C09, s25  }
0xf: {  	s25 =	simm.s32 $0x8980;
	s23 =	simm.s32 $0x56A0;
	s3 =	smul.u32 $0x578, s3  }
0x10: {  	s7 =	sadd.s32 s7, s1;
	s9 =	sadd.s32 s22, s1;
	s2 =	ssub.s32 s2, s11  }
0x11: {  	s11 =	simm.s32 $0x9;
	s15 =	sshrl.u32 s24, $0x3;
	s16 =	sshrl.u32 s13, $0x3  }
0x12: {  	s13 =	simm.s32 $0x4;
	s7 =	sadd.s32 $0x1B600, s7;
	s9 =	sadd.s32 $0x1AC00, s9  }
0x13: {  	s2 =	smax.u32 s2, $0x1;
	s8 =	sadd.s32 s3, s1;
	s1 =	sadd.s32 $0xD300, s1  }
0x14: {  	[dreg:$0x9] =	wrdreg s2;
	s26 =	sadd.s32 s12, s7;
	s24 =	sadd.s32 s10, s9  }
0x15: {  	s2 =	simm.s32 $0x6;
	s7 =	simm.s32 $0x5710;
	s9 =	simm.s32 $0x0  }
0x16: {  	s8 =	sadd.s32 $0x2400, s8;
	s1 =	sadd.s32 s3, s1;
	[dreg:$0xb] =	wrdreg s26  }
0x17: {  	s3 =	simm.s32 $0x3;
	s26 =	simm.s32 $0x56D8;
	[dreg:$0x8] =	wrdreg s8  }
0x18: {  	[dreg:$0xa] =	wrdreg s1;
	s1 =	simm.s32 $0x7;
	s8 =	simm.s32 $0x5748  }
.LBB2_1:
0x19: {  	s10 =	rddreg [dreg:$0x8]  }
0x1a: {  	[tilespmem:s6], [sflag:$0x9] =	stream.linear.gather [hbm4b:s10+s6], $0x2BC0, $0x38;
	[tilespmem:$0x1FA30] =	vst v63  }
0x1b: {  	_ =	swait.ge [sflag:s11], $0x2BC0  }
0x1c: {  	[sflag:s11] =	ssyncset.done $0x0  }
0x1d: {  	s12 =	simm.s32 $0x2BC0;
	s22 =	rddreg [dreg:$0xa];
	[sflag:s11] =	ssyncadd.s32 $0xFFFFD440  }
0x1e: {  	[tilespmem:s12], [sflag:$0x9] =	stream.linear.gather [hbm4b:s22+s6], $0x2BC0, $0x38;
	[tilespmem:$0x1FA30] =	vst v63  }
0x1f: {  	_ =	swait.ge [sflag:s11], $0x2BC0  }
0x20: {  	[sflag:s11] =	ssyncset.done $0x0  }
0x21: {  	s22 =	rddreg [dreg:$0x6];
	[sflag:s11] =	ssyncadd.s32 $0xFFFFD440  }
0x22: {  	[spmem:s15], [sflag:s14] =	dma.local [hbm:s22], $0x2780  }
0x23: {  	_ =	swait.ge [sflag:s11], $0x2780  }
0x24: {  	[sflag:s11] =	ssyncset.done $0x0  }
0x25: {  	[sflag:s11] =	ssyncadd.s32 $0xFFFFD880  }
0x26: {  	s12 =	rddreg [dreg:$0x2]  }
0x27: {  	[spmem:s16], [sflag:s14] =	dma.local [hbm:s12], $0x4F  }
0x28: {  	_ =	swait.ge [sflag:s11], $0x4F  }
0x29: {  	[sflag:s11] =	ssyncset.done $0x0  }
0x2a: {  	s22 =	rddreg [dreg:$0x7];
	[sflag:s11] =	ssyncadd.s32 $0xFFFFFFB1  }
0x2b: {  	[tilespmem:s17], [sflag:$0x9] =	stream.linear.gather [hbm4b:s22+s6], $0x38, $0x38;
	[tilespmem:$0x1FA30] =	vst v63  }
0x2c: {  	_ =	swait.ge [sflag:s11], $0x38  }
0x2d: {  	[sflag:s11] =	ssyncset.done $0x0  }
0x2e: {  	[sflag:s11] =	ssyncadd.s32 $0xFFFFFFC8  }
0x2f: {  	[bflag:$0x0] =	sbarrier.arrive $0xFFFF  }
0x30: {  	[tilespmem:s19], [sflag:$0x1] =	stream.indirect.gather [hbm4b:s0+s18], $0x80, s6, s18, $0xb8;
	[tilespmem:$0x1FA30] =	vst v63  }
0x31: {  	s12 =	simm.s32 $0x38  }
0x32: {  	[tilespmem:s21], [sflag:$0x2] =	stream.indirect.gather [hbm4b:s0+s18], $0x80, s12, s18, $0xb8;
	[tilespmem:$0x1FA30] =	vst v63  }
0x33: {  	s22 =	simm.s32 $0x70  }
0x34: {  	[tilespmem:s25], [sflag:$0x3] =	stream.indirect.gather [hbm4b:s0+s18], $0x80, s22, s18, $0xb8;
	[tilespmem:$0x1FA30] =	vst v63  }
0x35: {  	s12 =	simm.s32 $0xA8  }
0x36: {  	[tilespmem:s28], [sflag:$0x4] =	stream.indirect.gather [hbm4b:s0+s18], $0x80, s12, s18, $0xb8;
	[tilespmem:$0x1FA30] =	vst v63  }
0x37: {  	_ =	swait.ge [sflag:s29], $0x1900  }
0x38: {  	[sflag:s29] =	ssyncset.done $0x0  }
0x39: {  	s22 =	simm.s32 $0x2BC0;
	[sflag:s29] =	ssyncadd.s32 $0xFFFFE700  }
0x3a: {  	[spmem:s4] =	stream.indirect.scatter.add.f32 [tilespmem:s19], [sflag:$0x5], $0x80, s22, s18, $0xb8;
	[tilespmem:$0x1FA30] =	vst v63  }
0x3b: {  	_ = 	snop  }
0x3c: {  	[spmem:s5] =	stream.indirect.scatter.add.f32 [tilespmem:s17], [sflag:$0x5], $0x1, s22, s18, $0xb8;
	[tilespmem:$0x1FA30] =	vst v63  }
0x3d: {  	_ =	swait.ge [sflag:s30], $0x1900  }
0x3e: {  	[sflag:s30] =	ssyncset.done $0x0  }
0x3f: {  	[sflag:s30] =	ssyncadd.s32 $0xFFFFE700  }
0x40: {  	_ =	swait.ge [sflag:s30], $0x32  }
0x41: {  	[sflag:s30] =	ssyncset.done $0x0  }
0x42: {  	s12 =	simm.s32 $0xE0;
	[sflag:s30] =	ssyncadd.s32 $0xFFFFFFCE  }
0x43: {  	[tilespmem:s19], [sflag:$0x1] =	stream.indirect.gather [hbm4b:s0+s18], $0x80, s12, s18, $0xb8;
	[tilespmem:$0x1FA30] =	vst v63  }
0x44: {  	_ =	swait.ge [sflag:s31], $0x1900  }
0x45: {  	[sflag:s31] =	ssyncset.done $0x0  }
0x46: {  	s22 =	simm.s32 $0x2BF8;
	[sflag:s31] =	ssyncadd.s32 $0xFFFFE700  }
0x47: {  	[spmem:s4] =	stream.indirect.scatter.add.f32 [tilespmem:s21], [sflag:$0x6], $0x80, s22, s18, $0xb8;
	[tilespmem:$0x1FA30] =	vst v63  }
0x48: {  	_ = 	snop  }
0x49: {  	[spmem:s5] =	stream.indirect.scatter.add.f32 [tilespmem:s17], [sflag:$0x6], $0x1, s22, s18, $0xb8;
	[tilespmem:$0x1FA30] =	vst v63  }
0x4a: {  	_ =	swait.ge [sflag:s2], $0x1900  }
0x4b: {  	[sflag:s2] =	ssyncset.done $0x0  }
0x4c: {  	[sflag:s2] =	ssyncadd.s32 $0xFFFFE700  }
0x4d: {  	_ =	swait.ge [sflag:s2], $0x32  }
0x4e: {  	[sflag:s2] =	ssyncset.done $0x0  }
0x4f: {  	s12 =	simm.s32 $0x118;
	[sflag:s2] =	ssyncadd.s32 $0xFFFFFFCE  }
0x50: {  	[tilespmem:s21], [sflag:$0x2] =	stream.indirect.gather [hbm4b:s0+s18], $0x80, s12, s18, $0xb8;
	[tilespmem:$0x1FA30] =	vst v63  }
0x51: {  	_ =	swait.ge [sflag:s3], $0x1900  }
0x52: {  	[sflag:s3] =	ssyncset.done $0x0  }
0x53: {  	s22 =	simm.s32 $0x2C30;
	[sflag:s3] =	ssyncadd.s32 $0xFFFFE700  }
0x54: {  	[spmem:s4] =	stream.indirect.scatter.add.f32 [tilespmem:s25], [sflag:$0x7], $0x80, s22, s18, $0xb8;
	[tilespmem:$0x1FA30] =	vst v63  }
0x55: {  	_ = 	snop  }
0x56: {  	[spmem:s5] =	stream.indirect.scatter.add.f32 [tilespmem:s17], [sflag:$0x7], $0x1, s22, s18, $0xb8;
	[tilespmem:$0x1FA30] =	vst v63  }
0x57: {  	_ =	swait.ge [sflag:s1], $0x1900  }
0x58: {  	[sflag:s1] =	ssyncset.done $0x0  }
0x59: {  	[sflag:s1] =	ssyncadd.s32 $0xFFFFE700  }
0x5a: {  	_ =	swait.ge [sflag:s1], $0x32  }
0x5b: {  	[sflag:s1] =	ssyncset.done $0x0  }
0x5c: {  	s12 =	simm.s32 $0x150;
	[sflag:s1] =	ssyncadd.s32 $0xFFFFFFCE  }
0x5d: {  	[tilespmem:s25], [sflag:$0x3] =	stream.indirect.gather [hbm4b:s0+s18], $0x80, s12, s18, $0xb8;
	[tilespmem:$0x1FA30] =	vst v63  }
0x5e: {  	_ =	swait.ge [sflag:s13], $0x1900  }
0x5f: {  	[sflag:s13] =	ssyncset.done $0x0  }
0x60: {  	s22 =	simm.s32 $0x2C68;
	[sflag:s13] =	ssyncadd.s32 $0xFFFFE700  }
0x61: {  	[spmem:s4] =	stream.indirect.scatter.add.f32 [tilespmem:s28], [sflag:$0x8], $0x80, s22, s18, $0xb8;
	[tilespmem:$0x1FA30] =	vst v63  }
0x62: {  	_ = 	snop  }
0x63: {  	[spmem:s5] =	stream.indirect.scatter.add.f32 [tilespmem:s17], [sflag:$0x8], $0x1, s22, s18, $0xb8;
	[tilespmem:$0x1FA30] =	vst v63  }
0x64: {  	_ =	swait.ge [sflag:s20], $0x1900  }
0x65: {  	[sflag:s20] =	ssyncset.done $0x0  }
0x66: {  	[sflag:s20] =	ssyncadd.s32 $0xFFFFE700  }
0x67: {  	_ =	swait.ge [sflag:s20], $0x32  }
0x68: {  	[sflag:s20] =	ssyncset.done $0x0  }
0x69: {  	s10 =	simm.s32 $0x380;
	s12 =	simm.s32 $0x188;
	[sflag:s20] =	ssyncadd.s32 $0xFFFFFFCE  }
.LBB2_2:
0x6a: {  	[tilespmem:s28], [sflag:$0x4] =	stream.indirect.gather [hbm4b:s0+s18], $0x80, s12, s18, $0xb8;
	[tilespmem:$0x1FA30] =	vst v63  }
0x6b: {  	s12 =	smov.u32 s10  }
0x6c: {  	p0 =	sne.s32 s10, $0xA800;
	s10 =	sadd.s32 $0x380, s10;
	_ =	swait.ge [sflag:s29], $0x1900  }
0x6d: {  	s12 =	sshra.s32 s12, $0x2;
	[sflag:s29] =	ssyncset.done $0x0  }
0x6e: {  	s22 =	sadd.s32 $0x2BC0, s12;
	[sflag:s29] =	ssyncadd.s32 $0xFFFFE700  }
0x6f: {  	[spmem:s4] =	stream.indirect.scatter.add.f32 [tilespmem:s19], [sflag:$0x5], $0x80, s22, s18, $0xb8;
	[tilespmem:$0x1FA30] =	vst v63  }
0x70: {  	_ = 	snop  }
0x71: {  	[spmem:s5] =	stream.indirect.scatter.add.f32 [tilespmem:s17], [sflag:$0x5], $0x1, s22, s18, $0xb8;
	[tilespmem:$0x1FA30] =	vst v63  }
0x72: {  	_ =	swait.ge [sflag:s30], $0x1900  }
0x73: {  	[sflag:s30] =	ssyncset.done $0x0  }
0x74: {  	[sflag:s30] =	ssyncadd.s32 $0xFFFFE700  }
0x75: {  	_ =	swait.ge [sflag:s30], $0x32  }
0x76: {  	[sflag:s30] =	ssyncset.done $0x0  }
0x77: {  	s22 =	sadd.s32 $0xE0, s12;
	[sflag:s30] =	ssyncadd.s32 $0xFFFFFFCE  }
0x78: {  	[tilespmem:s19], [sflag:$0x1] =	stream.indirect.gather [hbm4b:s0+s18], $0x80, s22, s18, $0xb8;
	[tilespmem:$0x1FA30] =	vst v63  }
0x79: {  	_ =	swait.ge [sflag:s31], $0x1900  }
0x7a: {  	[sflag:s31] =	ssyncset.done $0x0  }
0x7b: {  	s22 =	sadd.s32 $0x2BF8, s12;
	[sflag:s31] =	ssyncadd.s32 $0xFFFFE700  }
0x7c: {  	[spmem:s4] =	stream.indirect.scatter.add.f32 [tilespmem:s21], [sflag:$0x6], $0x80, s22, s18, $0xb8;
	[tilespmem:$0x1FA30] =	vst v63  }
0x7d: {  	_ = 	snop  }
0x7e: {  	[spmem:s5] =	stream.indirect.scatter.add.f32 [tilespmem:s17], [sflag:$0x6], $0x1, s22, s18, $0xb8;
	[tilespmem:$0x1FA30] =	vst v63  }
0x7f: {  	_ =	swait.ge [sflag:s2], $0x1900  }
0x80: {  	[sflag:s2] =	ssyncset.done $0x0  }
0x81: {  	[sflag:s2] =	ssyncadd.s32 $0xFFFFE700  }
0x82: {  	_ =	swait.ge [sflag:s2], $0x32  }
0x83: {  	[sflag:s2] =	ssyncset.done $0x0  }
0x84: {  	s22 =	sadd.s32 $0x118, s12;
	[sflag:s2] =	ssyncadd.s32 $0xFFFFFFCE  }
0x85: {  	[tilespmem:s21], [sflag:$0x2] =	stream.indirect.gather [hbm4b:s0+s18], $0x80, s22, s18, $0xb8;
	[tilespmem:$0x1FA30] =	vst v63  }
0x86: {  	_ =	swait.ge [sflag:s3], $0x1900  }
0x87: {  	[sflag:s3] =	ssyncset.done $0x0  }
0x88: {  	s22 =	sadd.s32 $0x2C30, s12;
	[sflag:s3] =	ssyncadd.s32 $0xFFFFE700  }
0x89: {  	[spmem:s4] =	stream.indirect.scatter.add.f32 [tilespmem:s25], [sflag:$0x7], $0x80, s22, s18, $0xb8;
	[tilespmem:$0x1FA30] =	vst v63  }
0x8a: {  	_ = 	snop  }
0x8b: {  	[spmem:s5] =	stream.indirect.scatter.add.f32 [tilespmem:s17], [sflag:$0x7], $0x1, s22, s18, $0xb8;
	[tilespmem:$0x1FA30] =	vst v63  }
0x8c: {  	_ =	swait.ge [sflag:s1], $0x1900  }
0x8d: {  	[sflag:s1] =	ssyncset.done $0x0  }
0x8e: {  	[sflag:s1] =	ssyncadd.s32 $0xFFFFE700  }
0x8f: {  	_ =	swait.ge [sflag:s1], $0x32  }
0x90: {  	[sflag:s1] =	ssyncset.done $0x0  }
0x91: {  	s22 =	sadd.s32 $0x150, s12;
	[sflag:s1] =	ssyncadd.s32 $0xFFFFFFCE  }
0x92: {  	[tilespmem:s25], [sflag:$0x3] =	stream.indirect.gather [hbm4b:s0+s18], $0x80, s22, s18, $0xb8;
	[tilespmem:$0x1FA30] =	vst v63  }
0x93: {  	_ =	swait.ge [sflag:s13], $0x1900  }
0x94: {  	[sflag:s13] =	ssyncset.done $0x0  }
0x95: {  	s22 =	sadd.s32 $0x2C68, s12;
	[sflag:s13] =	ssyncadd.s32 $0xFFFFE700  }
0x96: {  	[spmem:s4] =	stream.indirect.scatter.add.f32 [tilespmem:s28], [sflag:$0x8], $0x80, s22, s18, $0xb8;
	[tilespmem:$0x1FA30] =	vst v63  }
0x97: {  	_ = 	snop  }
0x98: {  	[spmem:s5] =	stream.indirect.scatter.add.f32 [tilespmem:s17], [sflag:$0x8], $0x1, s22, s18, $0xb8;
	[tilespmem:$0x1FA30] =	vst v63  }
0x99: {  	_ =	swait.ge [sflag:s20], $0x1900  }
.Ltmp0:
0x9a: {  	[sflag:s20] =	ssyncset.done $0x0;
	(pc) =	sbr.rel @p0 .LBB2_2-.Ltmp0, $4  }
0x9b: {  	[sflag:s20] =	ssyncadd.s32 $0xFFFFE700  }
0x9c: {  	_ =	swait.ge [sflag:s20], $0x32  }
0x9d: {  	[sflag:s20] =	ssyncset.done $0x0  }
0x9e: {  	s12 =	sadd.s32 $0x188, s12;
	[sflag:s20] =	ssyncadd.s32 $0xFFFFFFCE  }
0x9f: {  	[tilespmem:s28], [sflag:$0x4] =	stream.indirect.gather [hbm4b:s0+s18], $0x80, s12, s18, $0xb8;
	[tilespmem:$0x1FA30] =	vst v63  }
0xa0: {  	_ =	swait.ge [sflag:s29], $0x1900  }
0xa1: {  	[sflag:s29] =	ssyncset.done $0x0  }
0xa2: {  	[sflag:s29] =	ssyncadd.s32 $0xFFFFE700  }
0xa3: {  	[spmem:s4] =	stream.indirect.scatter.add.f32 [tilespmem:s19], [sflag:$0x5], $0x80, s23, s18, $0xb8;
	[tilespmem:$0x1FA30] =	vst v63  }
0xa4: {  	_ = 	snop  }
0xa5: {  	[spmem:s5] =	stream.indirect.scatter.add.f32 [tilespmem:s17], [sflag:$0x5], $0x1, s23, s18, $0xb8;
	[tilespmem:$0x1FA30] =	vst v63  }
0xa6: {  	_ =	swait.ge [sflag:s30], $0x1900  }
0xa7: {  	[sflag:s30] =	ssyncset.done $0x0  }
0xa8: {  	[sflag:s30] =	ssyncadd.s32 $0xFFFFE700  }
0xa9: {  	_ =	swait.ge [sflag:s30], $0x32  }
0xaa: {  	[sflag:s30] =	ssyncset.done $0x0  }
0xab: {  	[sflag:s30] =	ssyncadd.s32 $0xFFFFFFCE  }
0xac: {  	_ =	swait.ge [sflag:s31], $0x1900  }
0xad: {  	[sflag:s31] =	ssyncset.done $0x0  }
0xae: {  	[sflag:s31] =	ssyncadd.s32 $0xFFFFE700  }
0xaf: {  	[spmem:s4] =	stream.indirect.scatter.add.f32 [tilespmem:s21], [sflag:$0x6], $0x80, s26, s18, $0xb8;
	[tilespmem:$0x1FA30] =	vst v63  }
0xb0: {  	_ = 	snop  }
0xb1: {  	[spmem:s5] =	stream.indirect.scatter.add.f32 [tilespmem:s17], [sflag:$0x6], $0x1, s26, s18, $0xb8;
	[tilespmem:$0x1FA30] =	vst v63  }
0xb2: {  	_ =	swait.ge [sflag:s2], $0x1900  }
0xb3: {  	[sflag:s2] =	ssyncset.done $0x0  }
0xb4: {  	[sflag:s2] =	ssyncadd.s32 $0xFFFFE700  }
0xb5: {  	_ =	swait.ge [sflag:s2], $0x32  }
0xb6: {  	[sflag:s2] =	ssyncset.done $0x0  }
0xb7: {  	[sflag:s2] =	ssyncadd.s32 $0xFFFFFFCE  }
0xb8: {  	_ =	swait.ge [sflag:s3], $0x1900  }
0xb9: {  	[sflag:s3] =	ssyncset.done $0x0  }
0xba: {  	[sflag:s3] =	ssyncadd.s32 $0xFFFFE700  }
0xbb: {  	[spmem:s4] =	stream.indirect.scatter.add.f32 [tilespmem:s25], [sflag:$0x7], $0x80, s7, s18, $0xb8;
	[tilespmem:$0x1FA30] =	vst v63  }
0xbc: {  	_ = 	snop  }
0xbd: {  	[spmem:s5] =	stream.indirect.scatter.add.f32 [tilespmem:s17], [sflag:$0x7], $0x1, s7, s18, $0xb8;
	[tilespmem:$0x1FA30] =	vst v63  }
0xbe: {  	_ =	swait.ge [sflag:s1], $0x1900  }
0xbf: {  	[sflag:s1] =	ssyncset.done $0x0  }
0xc0: {  	[sflag:s1] =	ssyncadd.s32 $0xFFFFE700  }
0xc1: {  	_ =	swait.ge [sflag:s1], $0x32  }
0xc2: {  	[sflag:s1] =	ssyncset.done $0x0  }
0xc3: {  	[sflag:s1] =	ssyncadd.s32 $0xFFFFFFCE  }
0xc4: {  	_ =	swait.ge [sflag:s13], $0x1900  }
0xc5: {  	[sflag:s13] =	ssyncset.done $0x0  }
0xc6: {  	[sflag:s13] =	ssyncadd.s32 $0xFFFFE700  }
0xc7: {  	[spmem:s4] =	stream.indirect.scatter.add.f32 [tilespmem:s28], [sflag:$0x8], $0x80, s8, s18, $0xb8;
	[tilespmem:$0x1FA30] =	vst v63  }
0xc8: {  	_ = 	snop  }
0xc9: {  	[spmem:s5] =	stream.indirect.scatter.add.f32 [tilespmem:s17], [sflag:$0x8], $0x1, s8, s18, $0xb8;
	[tilespmem:$0x1FA30] =	vst v63  }
0xca: {  	_ =	swait.ge [sflag:s20], $0x1900  }
0xcb: {  	[sflag:s20] =	ssyncset.done $0x0  }
0xcc: {  	[sflag:s20] =	ssyncadd.s32 $0xFFFFE700  }
0xcd: {  	_ =	swait.ge [sflag:s20], $0x32  }
0xce: {  	[sflag:s20] =	ssyncset.done $0x0  }
0xcf: {  	[sflag:s20] =	ssyncadd.s32 $0xFFFFFFCE  }
0xd0: {  	[bflag:$0x0] =	sbarrier.arrive $0xFFFF  }
0xd1: {  	s10 =	rddreg [dreg:$0xb]  }
0xd2: {  	[hbm:s10], [sflag:s14] =	dma.local [spmem:s15], $0x2780  }
0xd3: {  	_ =	swait.ge [sflag:s11], $0x2780  }
0xd4: {  	[sflag:s11] =	ssyncset.done $0x0  }
0xd5: {  	[sflag:s11] =	ssyncadd.s32 $0xFFFFD880  }
0xd6: {  	[hbm:s24], [sflag:s14] =	dma.local [spmem:s16], $0x4F  }
0xd7: {  	_ =	swait.ge [sflag:s11], $0x4F  }
0xd8: {  	s9 =	sadd.s32 $0x1, s9;
	s22 =	rddreg [dreg:$0x9]  }
0xd9: {  	p0 =	sne.s32 s9, s22  }
.Ltmp1:
0xda: {  	_ = 	snop;
	(pc) =	sbr.rel @p0 .LBB2_1-.Ltmp1, $3  }
0xdb: {  	_ =	sdelay $0x1  }
0xdc: {  	[sflag:s11] =	ssyncset.done $0x0  }
0xdd: {  	[sflag:s11] =	ssyncadd.s32 $0xFFFFFFB1  }
0xde: {  	_ =	sfence.sel $0x180000  }
0xdf: {  	[bflag:$0x0] =	sbarrier.arrive $0xFFFF  }
0xe0: {  	_ =	strace $0x90000047  }
0xe1: {  	s0 =	stileid.u32;
	[bflag:$0x2] =	sbarrier.arrive $0xFFFF  }
0xe2: {  	p0 =	sne.s32 s0, $0x0;
	s0 =	rddreg [dreg:$0x5]  }
0xe3: {  	s0 =	sadd.s32 @!p0 $0x100000, s0  }
0xe4: {  	[sflag:s0] =	ssyncadd.tile.s32 @!p0 $0x1;
	_ =	shalt  }
.Lfunc_end2:
_tile_overlayer_lowered:
.L_overlay_start_2:
0xe5: {  	(tag) =	ssettag $0x2  }
0xe6: {  	s0 =	rddreg [dreg:$0x0];
	s2 =	stileid.u32  }
0xe7: {  	s1 =	rddreg [dreg:$0x1];
	p0 =	sne.s32 s2, $0x0  }
0xe8: {  	s3 =	rddreg [dreg:$0x2];
	[bflag:$0x3] =	sbarrier.arrive $0xFFFF;
	s2 =	simm.s32 @!p0 $0x1C09  }
0xe9: {  	[timem:s3], [sflag:s2] =	dma.local @!p0 [hbm:s0], s1  }
0xea: {  	s0 =	simm.s32 @!p0 $0x9  }
0xeb: {  	_ =	swait.ge @!p0 [sflag:s0], s1  }
0xec: {  	s1 =	ssub.s32 @!p0 $0x0, s1;
	[sflag:s0] =	ssyncset.done @!p0 $0x0  }
0xed: {  	[sflag:s0] =	ssyncadd.s32 @!p0 s1  }
0xee: {  	[bflag:$0x3] =	sbarrier.arrive $0xFFFF  }
0xef: {  	_ =	shalt  }

// kernel: kernel.9.cloned.1.call-start
scs
__scs_entry_jumppad:
0x0: {  	(pc) =	sbr.rel $0x88, $3  }
0x1: {  	(tag) =	ssettag $0x0;
	lr =	simm.s32 $0x1  }
0x2: {  	[smem:$0x3F98] =	sst lr;
	_ =	strace $0xD0000000  }
0x3: {  	_ = 	snop  }
0x4: {  	_ = 	snop  }
0x5: {  	_ = 	snop  }
0x6: {  	_ = 	snop  }
0x7: {  	_ = 	snop  }
__scs_overlays_trampoline_lowered:
0x8: {  	[smem:$0x3FA7] =	sst s0  }
0x9: {  	[smem:$0x3FA8] =	sst s1  }
0xa: {  	[smem:$0x3FA9] =	sst s2  }
0xb: {  	[smem:$0x3FAA] =	sst s3  }
0xc: {  	[smem:$0x3FAB] =	sst s4  }
0xd: {  	[smem:$0x3FAC] =	sst s5  }
0xe: {  	[smem:$0x3FAD] =	sst s6  }
0xf: {  	[smem:$0x3FAE] =	sst s7  }
0x10: {  	[smem:$0x3FAF] =	sst s8  }
0x11: {  	[smem:$0x3FB0] =	sst s9;
	s0 =	simm.s32 @!p0 $0x0  }
0x12: {  	s1 =	sld [smem:$0x3F96];
	s0 =	simm.s32 @p0 $0x1  }
0x13: {  	[smem:$0x3FB1] =	sst s0;
	s0 =	simm.s32 @!p1 $0x0  }
0x14: {  	s2 =	sld [smem:$0x3F95];
	s0 =	simm.s32 @p1 $0x1  }
0x15: {  	[smem:$0x3FB2] =	sst s0;
	s0 =	simm.s32 @!p2 $0x0  }
0x16: {  	s3 =	sld [smem:$0x3FDB];
	s0 =	simm.s32 @p2 $0x1  }
0x17: {  	s4 =	simm.s32 $0x1BF5;
	[smem:$0x3FB4] =	sst s0  }
0x18: {  	s0 =	sld [smem:$0x3F97];
	_ =	swait.ge [sflag:s4], $0x0  }
0x19: {  	s7 =	sld [smem:$0x3F98]  }
0x1a: {  	s8 =	sadd.s32 $0xFFFFE003, lr  }
0x1b: {  	s9 =	sadd.s32 $0xFFFFFEF7, lr;
	s5 =	simm.s32 $0xFFFFFFFF;
	p2 =	slt.u32 s8, $0xFFFFF086  }
0x1c: {  	p1 =	slt.u32 s9, $0xF7A;
	s5 =	simm.s32 @!p2 $0x0  }
0x1d: {  	s5 =	simm.s32 @p1 $0x1;
	p0 =	seq.s32 s7, s2  }
0x1e: {  	s7 =	smul.u32 @!p0 $0xF7A, s2;
	p2 =	seq.s32 @!p0 s5, $0x0  }
0x1f: {  	s9 =	smul.u32 $0xF7A, s1;
	s8 =	simm.s32 @!p0 $0x1BF5;
	p2 =	por !p2, p0  }
0x20: {  	[sflag:s8] =	ssyncset.s32 @!p0 $0xFFFFF086;
	s6 =	sadd.s32 @!p0 s3, s7;
	s7 =	simm.s32 @!p0 $0x108  }
0x21: {  	s3 =	sadd.s32 s3, s9;
	s6 =	sadd.s32 @!p0 $0x88, s6;
	s7 =	simm.s32 @p2 $0x1082  }
0x22: {  	[simem:s7], [sflag:s8] =	dma.local @!p0 [hbm:s6], $0xF7A  }
0x23: {  	s9 =	sor.u32 $0xD0000000, s2;
	s6 =	simm.s32 $0x108;
	_ =	swait.ge @!p0 [sflag:s8], $0x0  }
0x24: {  	s3 =	sadd.s32 $0x88, s3;
	s6 =	simm.s32 @!p1 $0x1082;
	[sflag:s4] =	ssyncset.s32 $0xFFFFF086  }
0x25: {  	[simem:s6], [sflag:s4] =	dma.local [hbm:s3], $0xF7A  }
0x26: {  	[smem:$0x3F98] =	sst s1;
	(tag) =	ssettag s2;
	_ =	strace s9  }
0x27: {  	s1 =	sld [smem:$0x3FA8]  }
0x28: {  	s2 =	sld [smem:$0x3FA9]  }
0x29: {  	s4 =	sld [smem:$0x3FAB]  }
0x2a: {  	p0 =	seq.s32 s5, $0x0;
	s5 =	sld [smem:$0x3FAC]  }
0x2b: {  	s6 =	sld [smem:$0x3FAD]  }
0x2c: {  	s7 =	sld [smem:$0x3FAE]  }
0x2d: {  	s3 =	simm.s32 $0x108;
	s8 =	sld [smem:$0x3FAF]  }
0x2e: {  	s3 =	simm.s32 @!p0 $0x1082;
	s9 =	sld [smem:$0x3FB0]  }
0x2f: {  	lr =	sadd.s32 s0, s3;
	s0 =	sld [smem:$0x3FA7]  }
0x30: {  	s3 =	sld [smem:$0x3FAA]  }
0x31: {  	[smem:$0x3FB3] =	sst s10  }
0x32: {  	s10 =	sld [smem:$0x3FB1];
	_ =	sdelay $0x3  }
0x33: {  	p0 =	seq.s32 s10, $0x1;
	s10 =	sld [smem:$0x3FB3];
	_ =	sdelay $0x3  }
0x34: {  	[smem:$0x3FB3] =	sst s10  }
0x35: {  	s10 =	sld [smem:$0x3FB2];
	_ =	sdelay $0x3  }
0x36: {  	p1 =	seq.s32 s10, $0x1;
	s10 =	sld [smem:$0x3FB3];
	_ =	sdelay $0x3  }
0x37: {  	[smem:$0x3FB3] =	sst s10  }
0x38: {  	s10 =	sld [smem:$0x3FB4]  }
0x39: {  	_ = 	snop;
	(pc) =	sbr.ind lr, $3  }
0x3a: {  	_ = 	snop  }
0x3b: {  	_ = 	snop  }
0x3c: {  	p2 =	seq.s32 s10, $0x1;
	s10 =	sld [smem:$0x3FB3]  }
0x3d: {  	_ =	shalt  }
0x3e: {  	_ =	shalt  }
0x3f: {  	_ =	shalt  }
0x40: {  	_ =	shalt  }
0x41: {  	_ =	shalt  }
0x42: {  	_ =	shalt  }
0x43: {  	_ =	shalt  }
0x44: {  	_ =	shalt  }
0x45: {  	_ =	shalt  }
0x46: {  	_ =	shalt  }
0x47: {  	_ =	shalt  }
0x48: {  	_ =	shalt  }
0x49: {  	_ =	shalt  }
0x4a: {  	_ =	shalt  }
0x4b: {  	_ =	shalt  }
0x4c: {  	_ =	shalt  }
0x4d: {  	_ =	shalt  }
0x4e: {  	_ =	shalt  }
0x4f: {  	_ =	shalt  }
0x50: {  	_ =	shalt  }
0x51: {  	_ =	shalt  }
0x52: {  	_ =	shalt  }
0x53: {  	_ =	shalt  }
0x54: {  	_ =	shalt  }
0x55: {  	_ =	shalt  }
0x56: {  	_ =	shalt  }
0x57: {  	_ =	shalt  }
0x58: {  	_ =	shalt  }
0x59: {  	_ =	shalt  }
0x5a: {  	_ =	shalt  }
0x5b: {  	_ =	shalt  }
0x5c: {  	_ =	shalt  }
0x5d: {  	_ =	shalt  }
0x5e: {  	_ =	shalt  }
0x5f: {  	_ =	shalt  }
0x60: {  	_ =	shalt  }
0x61: {  	_ =	shalt  }
0x62: {  	_ =	shalt  }
0x63: {  	_ =	shalt  }
0x64: {  	_ =	shalt  }
0x65: {  	_ =	shalt  }
0x66: {  	_ =	shalt  }
0x67: {  	_ =	shalt  }
0x68: {  	_ =	shalt  }
0x69: {  	_ =	shalt  }
0x6a: {  	_ =	shalt  }
0x6b: {  	_ =	shalt  }
0x6c: {  	_ =	shalt  }
0x6d: {  	_ =	shalt  }
0x6e: {  	_ =	shalt  }
0x6f: {  	_ =	shalt  }
0x70: {  	_ =	shalt  }
0x71: {  	_ =	shalt  }
0x72: {  	_ =	shalt  }
0x73: {  	_ =	shalt  }
0x74: {  	_ =	shalt  }
0x75: {  	_ =	shalt  }
0x76: {  	_ =	shalt  }
0x77: {  	_ =	shalt  }
0x78: {  	_ =	shalt  }
0x79: {  	_ =	shalt  }
0x7a: {  	_ =	shalt  }
0x7b: {  	_ =	shalt  }
0x7c: {  	_ =	shalt  }
0x7d: {  	_ =	shalt  }
0x7e: {  	_ =	shalt  }
0x7f: {  	_ =	shalt  }
0x80: {  	_ =	shalt  }
0x81: {  	_ =	shalt  }
0x82: {  	_ =	shalt  }
0x83: {  	_ =	shalt  }
0x84: {  	_ =	shalt  }
0x85: {  	_ =	shalt  }
0x86: {  	_ =	shalt  }
0x87: {  	_ =	shalt  }
.Lfunc_end0:
.L_simem_size_0:
called_computation.1_lowered:
.L_overlay_start_0:
0x88: {  	s2 =	sld [smem:$0x3FD9]  }
0x89: {  	s3 =	sld [smem:$0x3FFE];
	_ =	sdelay $0x1  }
0x8a: {  	s1 =	srdreg.scid  }
0x8b: {  	s0 =	sand.u32 $0x1, s1  }
0x8c: {  	s16 =	sshll.u32 s0, $0xA;
	s2 =	sadd.s32 s3, s2  }
0x8d: {  	s2 =	sadd.s32 s2, s16  }
0x8e: {  	[smem:$0x3FBF] =	sst s2  }
0x8f: {  	_ = 	snop  }
0x90: {  	(tm) =	ssettm $0x1  }
0x91: {  	s17 =	sld [smem:$0x3FFB];
	_ =	sdelay $0x3  }
0x92: {  	_ =	strace s17  }
0x93: {  	s2 =	sld [smem:$0x3FFC];
	_ =	sdelay $0x3  }
0x94: {  	_ =	strace s2  }
0x95: {  	s2 =	sld [smem:$0x3FFD];
	_ =	sdelay $0x3  }
0x96: {  	_ =	strace s2  }
0x97: {  	_ =	strace $0x8FFFFFFF  }
0x98: {  	s18 =	sld [smem:$0x3FDB];
	_ =	sdelay $0x1  }
0x99: {  	s19 =	simm.s32 $_scs_section_size  }
0x9a: {  	s4 =	simm.s32 $_size__tile_overlayer_lowered;
	s5 =	simm.s32 $_tile_overlayer_lowered  }
0x9b: {  	s22 =	simm.s32 $0x1BFF;
	s21 =	sshll.u32 s5, $0x1;
	s2 =	sadd.s32 s19, s18  }
0x9c: {  	s6 =	simm.s32 $0x0;
	s20 =	sshll.u32 s4, $0x1;
	s4 =	sadd.s32 s21, s2  }
0x9d: {  	[timem:s6], [sflag:s22] =	dma.local [hbm:s4], s20  }
0x9e: {  	_ =	swait.ge [sflag:s22], s20  }
0x9f: {  	s3 =	ssub.s32 $0x0, s20;
	[sflag:s22] =	ssyncset.done $0x0  }
0xa0: {  	[sflag:s22] =	ssyncadd.s32 s3;
	_ =	sdelay $0x1  }
0xa1: {  	s23 =	simm.s32 $0x1B8B  }
0xa2: {  	_ =	swait.ge [sflag:s23], $0x1  }
0xa3: {  	[sflag:s23] =	ssyncset.done $0x0  }
0xa4: {  	s25 =	simm.s32 $0x1B8E;
	s24 =	sld [smem:$0x3FFE];
	[sflag:s23] =	ssyncadd.s32 $0xFFFFFFFF  }
0xa5: {  	s26 =	simm.s32 $execute0_lowered;
	[smem:$0x3FD2] =	sst s25  }
0xa6: {  	s4 =	sshll.u32 s26, $0x1;
	_ =	strace $0x80000049;
	[dreg:$0x1] =	wrdreg $0xFFFFFFFF  }
0xa7: {  	s28 =	simm.s32 $_size_execute0_lowered;
	s2 =	sadd.s32 s2, s4;
	[dreg:$0x0] =	wrdreg $0x0  }
0xa8: {  	s4 =	sshll.u32 s28, $0x1;
	[dreg:$0x2] =	wrdreg s2  }
0xa9: {  	[dreg:$0x3] =	wrdreg s4  }
0xaa: {  	[dreg:$0x4] =	wrdreg $0xC0  }
0xab: {  	_ =	task [dreg:s6], $0x5FFFF  }
0xac: {  	[dreg:$0x1] =	wrdreg $0xFFFFFFFF  }
0xad: {  	[dreg:$0x0] =	wrdreg $0x60  }
0xae: {  	[dreg:$0x2] =	wrdreg s24  }
0xaf: {  	[dreg:$0x3] =	wrdreg $0x64000  }
0xb0: {  	[dreg:$0x4] =	wrdreg $0x9  }
0xb1: {  	_ =	task.clear_ibuf [dreg:s6], $0x5FFFF;
	_ =	strace $0x90000049  }
0xb2: {  	s29 =	simm.s32 $0x9;
	_ =	strace $0x8000004B  }
0xb3: {  	_ =	swait.ge [sflag:s29], $0x1  }
0xb4: {  	[sflag:s29] =	ssyncadd.s32 $0xFFFFFFFF  }
0xb5: {  	_ =	strace $0x9000004B  }
0xb6: {  	_ =	sfence  }
0xb7: {  	s30 =	sld [smem:$0x0];
	_ =	sdelay $0x2  }
0xb8: {  	s31 =	sshll.u32 s1, $0xD;
	s1 =	sshrl.u32 s1, $0x2  }
0xb9: {  	s3 =	sand.u32 $0x4000, s31;
	s1 =	sadd.s32 s1, s30  }
0xba: {  	s0 =	sor.u32 s3, s0;
	s1 =	sshll.u32 s1, $0x11  }
0xbb: {  	s0 =	sor.u32 s1, s0  }
0xbc: {  	s0 =	sadd.s32 $0x8F2B, s0  }
0xbd: {  	[sflag:s0] =	ssyncadd.remote.s32 $0x1  }
0xbe: {  	_ =	sfence.sel $0xFFFF  }
0xbf: {  	[dreg:$0x0] =	wrdreg $0xFFFFFFFF;
	(pc) =	sbr.abs _section_cstart, $3  }
0xc0: {  	[dreg:$0x1] =	wrdreg $0xFFFFFFFF  }
0xc1: {  	_ =	task.clear_ibuf [dreg:s6], $0x2FFFF;
	_ =	strace $0x9FFFFFFF  }
0xc2: {  	(tm) =	ssettm $0x7FFFFFFF  }
0xc3: {  	_ =	shalt  }
tec
execute0_lowered:
.L_overlay_start_1:
0x0: {  	(tag) =	ssettag $0x1  }
0x1: {  	s0 =	srdreg.scid;
	s1 =	rddreg [dreg:$0x0]  }
0x2: {  	s2 =	rddreg [dreg:$0x1];
	s11 =	stileid.u32  }
0x3: {  	s3 =	simm.s32 $0x0;
	s13 =	simm.s32 $0x32;
	s14 =	simm.s32 $0x5780  }
0x4: {  	s16 =	simm.s32 $0x5AA0;
	s18 =	simm.s32 $0x5DC0;
	s20 =	simm.s32 $0x60E0  }
0x5: {  	s21 =	simm.s32 $0x1;
	s22 =	simm.s32 $0x5;
	s23 =	simm.s32 $0x2  }
0x6: {  	s25 =	simm.s32 $0x6;
	s26 =	simm.s32 $0x3;
	s28 =	simm.s32 $0x7  }
0x7: {  	s29 =	simm.s32 $0x4;
	s30 =	simm.s32 $0x8;
	s0 =	sand.u32 $0x1, s0  }
0x8: {  	[smem:$0x7FF] =	sst s3;
	s5 =	sadd.s32 $0x1D400, s1;
	s10 =	smul.u32 $0x2780, s11  }
0x9: {  	s31 =	sshll.u32 s11, $0x6;
	s4 =	sshll.u32 s0, $0x4;
	_ =	strace $0x8000004A  }
0xa: {  	s7 =	smul.u32 $0x4F00, s0;
	s0 =	ssub.s32 $0x2, s0;
	s4 =	sor.u32 s11, s4  }
0xb: {  	s8 =	sshrl.u32 s0, $0x1;
	s12 =	sadd.s32 s10, s2;
	s10 =	sshrl.u32 s10, $0x3  }
0xc: {  	s11 =	sor.u32 $0x1C09, s31;
	s9 =	smul.u32 $0x578, s4;
	s4 =	sadd.s32 $0x18400, s1  }
0xd: {  	s7 =	sadd.s32 s7, s1;
	s0 =	ssub.s32 s0, s8;
	s8 =	simm.s32 $0x9  }
0xe: {  	s12 =	sshrl.u32 s12, $0x3;
	s15 =	sadd.s32 $0x1DA00, s7;
	s7 =	smax.u32 s0, $0x1  }
0xf: {  	s0 =	simm.s32 $0x56D8;
	s6 =	sadd.s32 s9, s1;
	s1 =	sadd.s32 $0xD300, s1  }
0x10: {  	s24 =	sadd.s32 s10, s15;
	s10 =	simm.s32 $0x5748;
	s15 =	simm.s32 $0x0  }
0x11: {  	s6 =	sadd.s32 $0x2400, s6;
	s9 =	sadd.s32 s9, s1;
	s1 =	simm.s32 $0x5710  }
.LBB2_1:
0x12: {  	[tilespmem:s3], [sflag:$0x9] =	stream.linear.gather [hbm4b:s6+s3], $0x2BC0, $0x38;
	[tilespmem:$0x8B80] =	vst v63  }
0x13: {  	_ =	swait.ge [sflag:s8], $0x2BC0  }
0x14: {  	[sflag:s8] =	ssyncset.done $0x0  }
0x15: {  	s17 =	simm.s32 $0x2BC0;
	[sflag:s8] =	ssyncadd.s32 $0xFFFFD440  }
0x16: {  	[tilespmem:s17], [sflag:$0x9] =	stream.linear.gather [hbm4b:s9+s3], $0x2BC0, $0x38;
	[tilespmem:$0x8B80] =	vst v63  }
0x17: {  	_ =	swait.ge [sflag:s8], $0x2BC0  }
0x18: {  	[sflag:s8] =	ssyncset.done $0x0  }
0x19: {  	[sflag:s8] =	ssyncadd.s32 $0xFFFFD440  }
0x1a: {  	[spmem:s12], [sflag:s11] =	dma.local [hbm:s5], $0x4F0  }
0x1b: {  	_ =	swait.ge [sflag:s8], $0x4F0  }
0x1c: {  	[sflag:s8] =	ssyncset.done $0x0  }
0x1d: {  	[sflag:s8] =	ssyncadd.s32 $0xFFFFFB10  }
0x1e: {  	[bflag:$0x0] =	sbarrier.arrive $0xFFFF  }
0x1f: {  	[tilespmem:s14], [sflag:$0x1] =	stream.indirect.gather [hbm4b:s4+s13], $0x10, s3, s13, $0xb8;
	[tilespmem:$0x8B80] =	vst v63  }
0x20: {  	s19 =	simm.s32 $0x38  }
0x21: {  	[tilespmem:s16], [sflag:$0x2] =	stream.indirect.gather [hbm4b:s4+s13], $0x10, s19, s13, $0xb8;
	[tilespmem:$0x8B80] =	vst v63  }
0x22: {  	s31 =	simm.s32 $0x70  }
0x23: {  	[tilespmem:s18], [sflag:$0x3] =	stream.indirect.gather [hbm4b:s4+s13], $0x10, s31, s13, $0xb8;
	[tilespmem:$0x8B80] =	vst v63  }
0x24: {  	s19 =	simm.s32 $0xA8  }
0x25: {  	[tilespmem:s20], [sflag:$0x4] =	stream.indirect.gather [hbm4b:s4+s13], $0x10, s19, s13, $0xb8;
	[tilespmem:$0x8B80] =	vst v63  }
0x26: {  	_ =	swait.ge [sflag:s21], $0x320  }
0x27: {  	[sflag:s21] =	ssyncset.done $0x0  }
0x28: {  	s31 =	simm.s32 $0x2BC0;
	[sflag:s21] =	ssyncadd.s32 $0xFFFFFCE0  }
0x29: {  	[spmem:s2] =	stream.indirect.scatter.add.f32 [tilespmem:s14], [sflag:$0x5], $0x10, s31, s13, $0xb8;
	[tilespmem:$0x8B80] =	vst v63  }
0x2a: {  	_ =	swait.ge [sflag:s22], $0x320  }
0x2b: {  	[sflag:s22] =	ssyncset.done $0x0  }
0x2c: {  	s19 =	simm.s32 $0xE0;
	[sflag:s22] =	ssyncadd.s32 $0xFFFFFCE0  }
0x2d: {  	[tilespmem:s14], [sflag:$0x1] =	stream.indirect.gather [hbm4b:s4+s13], $0x10, s19, s13, $0xb8;
	[tilespmem:$0x8B80] =	vst v63  }
0x2e: {  	_ =	swait.ge [sflag:s23], $0x320  }
0x2f: {  	[sflag:s23] =	ssyncset.done $0x0  }
0x30: {  	s31 =	simm.s32 $0x2BF8;
	[sflag:s23] =	ssyncadd.s32 $0xFFFFFCE0  }
0x31: {  	[spmem:s2] =	stream.indirect.scatter.add.f32 [tilespmem:s16], [sflag:$0x6], $0x10, s31, s13, $0xb8;
	[tilespmem:$0x8B80] =	vst v63  }
0x32: {  	_ =	swait.ge [sflag:s25], $0x320  }
0x33: {  	[sflag:s25] =	ssyncset.done $0x0  }
0x34: {  	s19 =	simm.s32 $0x118;
	[sflag:s25] =	ssyncadd.s32 $0xFFFFFCE0  }
0x35: {  	[tilespmem:s16], [sflag:$0x2] =	stream.indirect.gather [hbm4b:s4+s13], $0x10, s19, s13, $0xb8;
	[tilespmem:$0x8B80] =	vst v63  }
0x36: {  	_ =	swait.ge [sflag:s26], $0x320  }
0x37: {  	[sflag:s26] =	ssyncset.done $0x0  }
0x38: {  	s31 =	simm.s32 $0x2C30;
	[sflag:s26] =	ssyncadd.s32 $0xFFFFFCE0  }
0x39: {  	[spmem:s2] =	stream.indirect.scatter.add.f32 [tilespmem:s18], [sflag:$0x7], $0x10, s31, s13, $0xb8;
	[tilespmem:$0x8B80] =	vst v63  }
0x3a: {  	_ =	swait.ge [sflag:s28], $0x320  }
0x3b: {  	[sflag:s28] =	ssyncset.done $0x0  }
0x3c: {  	s19 =	simm.s32 $0x150;
	[sflag:s28] =	ssyncadd.s32 $0xFFFFFCE0  }
0x3d: {  	[tilespmem:s18], [sflag:$0x3] =	stream.indirect.gather [hbm4b:s4+s13], $0x10, s19, s13, $0xb8;
	[tilespmem:$0x8B80] =	vst v63  }
0x3e: {  	_ =	swait.ge [sflag:s29], $0x320  }
0x3f: {  	[sflag:s29] =	ssyncset.done $0x0  }
0x40: {  	s31 =	simm.s32 $0x2C68;
	[sflag:s29] =	ssyncadd.s32 $0xFFFFFCE0  }
0x41: {  	[spmem:s2] =	stream.indirect.scatter.add.f32 [tilespmem:s20], [sflag:$0x8], $0x10, s31, s13, $0xb8;
	[tilespmem:$0x8B80] =	vst v63  }
0x42: {  	_ =	swait.ge [sflag:s30], $0x320  }
0x43: {  	[sflag:s30] =	ssyncset.done $0x0  }
0x44: {  	s17 =	simm.s32 $0x380;
	s19 =	simm.s32 $0x188;
	[sflag:s30] =	ssyncadd.s32 $0xFFFFFCE0  }
.LBB2_2:
0x45: {  	[tilespmem:s20], [sflag:$0x4] =	stream.indirect.gather [hbm4b:s4+s13], $0x10, s19, s13, $0xb8;
	[tilespmem:$0x8B80] =	vst v63  }
0x46: {  	s19 =	smov.u32 s17  }
0x47: {  	p0 =	sne.s32 s17, $0xA800;
	s17 =	sadd.s32 $0x380, s17;
	_ =	swait.ge [sflag:s21], $0x320  }
0x48: {  	s19 =	sshra.s32 s19, $0x2;
	[sflag:s21] =	ssyncset.done $0x0  }
0x49: {  	s31 =	sadd.s32 $0x2BC0, s19;
	[sflag:s21] =	ssyncadd.s32 $0xFFFFFCE0  }
0x4a: {  	[spmem:s2] =	stream.indirect.scatter.add.f32 [tilespmem:s14], [sflag:$0x5], $0x10, s31, s13, $0xb8;
	[tilespmem:$0x8B80] =	vst v63  }
0x4b: {  	_ =	swait.ge [sflag:s22], $0x320  }
0x4c: {  	[sflag:s22] =	ssyncset.done $0x0  }
0x4d: {  	s31 =	sadd.s32 $0xE0, s19;
	[sflag:s22] =	ssyncadd.s32 $0xFFFFFCE0  }
0x4e: {  	[tilespmem:s14], [sflag:$0x1] =	stream.indirect.gather [hbm4b:s4+s13], $0x10, s31, s13, $0xb8;
	[tilespmem:$0x8B80] =	vst v63  }
0x4f: {  	_ =	swait.ge [sflag:s23], $0x320  }
0x50: {  	[sflag:s23] =	ssyncset.done $0x0  }
0x51: {  	s31 =	sadd.s32 $0x2BF8, s19;
	[sflag:s23] =	ssyncadd.s32 $0xFFFFFCE0  }
0x52: {  	[spmem:s2] =	stream.indirect.scatter.add.f32 [tilespmem:s16], [sflag:$0x6], $0x10, s31, s13, $0xb8;
	[tilespmem:$0x8B80] =	vst v63  }
0x53: {  	_ =	swait.ge [sflag:s25], $0x320  }
0x54: {  	[sflag:s25] =	ssyncset.done $0x0  }
0x55: {  	s31 =	sadd.s32 $0x118, s19;
	[sflag:s25] =	ssyncadd.s32 $0xFFFFFCE0  }
0x56: {  	[tilespmem:s16], [sflag:$0x2] =	stream.indirect.gather [hbm4b:s4+s13], $0x10, s31, s13, $0xb8;
	[tilespmem:$0x8B80] =	vst v63  }
0x57: {  	_ =	swait.ge [sflag:s26], $0x320  }
0x58: {  	[sflag:s26] =	ssyncset.done $0x0  }
0x59: {  	s31 =	sadd.s32 $0x2C30, s19;
	[sflag:s26] =	ssyncadd.s32 $0xFFFFFCE0  }
0x5a: {  	[spmem:s2] =	stream.indirect.scatter.add.f32 [tilespmem:s18], [sflag:$0x7], $0x10, s31, s13, $0xb8;
	[tilespmem:$0x8B80] =	vst v63  }
0x5b: {  	_ =	swait.ge [sflag:s28], $0x320  }
0x5c: {  	[sflag:s28] =	ssyncset.done $0x0  }
0x5d: {  	s31 =	sadd.s32 $0x150, s19;
	[sflag:s28] =	ssyncadd.s32 $0xFFFFFCE0  }
0x5e: {  	[tilespmem:s18], [sflag:$0x3] =	stream.indirect.gather [hbm4b:s4+s13], $0x10, s31, s13, $0xb8;
	[tilespmem:$0x8B80] =	vst v63  }
0x5f: {  	_ =	swait.ge [sflag:s29], $0x320  }
0x60: {  	[sflag:s29] =	ssyncset.done $0x0  }
.Ltmp0:
0x61: {  	s31 =	sadd.s32 $0x2C68, s19;
	[sflag:s29] =	ssyncadd.s32 $0xFFFFFCE0;
	(pc) =	sbr.rel @p0 .LBB2_2-.Ltmp0, $4  }
0x62: {  	[spmem:s2] =	stream.indirect.scatter.add.f32 [tilespmem:s20], [sflag:$0x8], $0x10, s31, s13, $0xb8;
	[tilespmem:$0x8B80] =	vst v63  }
0x63: {  	_ =	swait.ge [sflag:s30], $0x320  }
0x64: {  	[sflag:s30] =	ssyncset.done $0x0  }
0x65: {  	s19 =	sadd.s32 $0x188, s19;
	[sflag:s30] =	ssyncadd.s32 $0xFFFFFCE0  }
0x66: {  	[tilespmem:s20], [sflag:$0x4] =	stream.indirect.gather [hbm4b:s4+s13], $0x10, s19, s13, $0xb8;
	[tilespmem:$0x8B80] =	vst v63  }
0x67: {  	_ =	swait.ge [sflag:s21], $0x320  }
0x68: {  	[sflag:s21] =	ssyncset.done $0x0  }
0x69: {  	s17 =	simm.s32 $0x56A0;
	[sflag:s21] =	ssyncadd.s32 $0xFFFFFCE0  }
0x6a: {  	[spmem:s2] =	stream.indirect.scatter.add.f32 [tilespmem:s14], [sflag:$0x5], $0x10, s17, s13, $0xb8;
	[tilespmem:$0x8B80] =	vst v63  }
0x6b: {  	_ =	swait.ge [sflag:s22], $0x320  }
0x6c: {  	[sflag:s22] =	ssyncset.done $0x0  }
0x6d: {  	[sflag:s22] =	ssyncadd.s32 $0xFFFFFCE0  }
0x6e: {  	_ =	swait.ge [sflag:s23], $0x320  }
0x6f: {  	[sflag:s23] =	ssyncset.done $0x0  }
0x70: {  	[sflag:s23] =	ssyncadd.s32 $0xFFFFFCE0  }
0x71: {  	[spmem:s2] =	stream.indirect.scatter.add.f32 [tilespmem:s16], [sflag:$0x6], $0x10, s0, s13, $0xb8;
	[tilespmem:$0x8B80] =	vst v63  }
0x72: {  	_ =	swait.ge [sflag:s25], $0x320  }
0x73: {  	[sflag:s25] =	ssyncset.done $0x0  }
0x74: {  	[sflag:s25] =	ssyncadd.s32 $0xFFFFFCE0  }
0x75: {  	_ =	swait.ge [sflag:s26], $0x320  }
0x76: {  	[sflag:s26] =	ssyncset.done $0x0  }
0x77: {  	[sflag:s26] =	ssyncadd.s32 $0xFFFFFCE0  }
0x78: {  	[spmem:s2] =	stream.indirect.scatter.add.f32 [tilespmem:s18], [sflag:$0x7], $0x10, s1, s13, $0xb8;
	[tilespmem:$0x8B80] =	vst v63  }
0x79: {  	_ =	swait.ge [sflag:s28], $0x320  }
0x7a: {  	[sflag:s28] =	ssyncset.done $0x0  }
0x7b: {  	[sflag:s28] =	ssyncadd.s32 $0xFFFFFCE0  }
0x7c: {  	_ =	swait.ge [sflag:s29], $0x320  }
0x7d: {  	[sflag:s29] =	ssyncset.done $0x0  }
0x7e: {  	[sflag:s29] =	ssyncadd.s32 $0xFFFFFCE0  }
0x7f: {  	[spmem:s2] =	stream.indirect.scatter.add.f32 [tilespmem:s20], [sflag:$0x8], $0x10, s10, s13, $0xb8;
	[tilespmem:$0x8B80] =	vst v63  }
0x80: {  	_ =	swait.ge [sflag:s30], $0x320  }
0x81: {  	s15 =	sadd.s32 $0x1, s15;
	[sflag:s30] =	ssyncset.done $0x0  }
0x82: {  	p0 =	sne.s32 s15, s7;
	[sflag:s30] =	ssyncadd.s32 $0xFFFFFCE0  }
.Ltmp1:
0x83: {  	[bflag:$0x0] =	sbarrier.arrive $0xFFFF;
	(pc) =	sbr.rel @p0 .LBB2_1-.Ltmp1, $4  }
0x84: {  	[hbm:s24], [sflag:s11] =	dma.local [spmem:s12], $0x4F0  }
0x85: {  	_ =	swait.ge [sflag:s8], $0x4F0  }
0x86: {  	[sflag:s8] =	ssyncset.done $0x0  }
0x87: {  	[sflag:s8] =	ssyncadd.s32 $0xFFFFFB10  }
0x88: {  	_ =	sfence.sel $0x180000  }
0x89: {  	[bflag:$0x0] =	sbarrier.arrive $0xFFFF  }
0x8a: {  	_ =	strace $0x9000004A  }
0x8b: {  	s0 =	stileid.u32;
	[bflag:$0x2] =	sbarrier.arrive $0xFFFF  }
0x8c: {  	p0 =	sne.s32 s0, $0x0;
	s0 =	rddreg [dreg:$0x2]  }
0x8d: {  	s0 =	sadd.s32 @!p0 $0x100000, s0  }
0x8e: {  	[sflag:s0] =	ssyncadd.tile.s32 @!p0 $0x1;
	_ =	shalt  }
.Lfunc_end2:
_tile_overlayer_lowered:
.L_overlay_start_2:
0x8f: {  	(tag) =	ssettag $0x2  }
0x90: {  	s0 =	rddreg [dreg:$0x0];
	s2 =	stileid.u32  }
0x91: {  	s1 =	rddreg [dreg:$0x1];
	p0 =	sne.s32 s2, $0x0  }
0x92: {  	s3 =	rddreg [dreg:$0x2];
	[bflag:$0x3] =	sbarrier.arrive $0xFFFF;
	s2 =	simm.s32 @!p0 $0x1C09  }
0x93: {  	[timem:s3], [sflag:s2] =	dma.local @!p0 [hbm:s0], s1  }
0x94: {  	s0 =	simm.s32 @!p0 $0x9  }
0x95: {  	_ =	swait.ge @!p0 [sflag:s0], s1  }
0x96: {  	s1 =	ssub.s32 @!p0 $0x0, s1;
	[sflag:s0] =	ssyncset.done @!p0 $0x0  }
0x97: {  	[sflag:s0] =	ssyncadd.s32 @!p0 s1  }
0x98: {  	[bflag:$0x3] =	sbarrier.arrive $0xFFFF  }
0x99: {  	_ =	shalt  }

</sc_bundles>
